<compile_context>
chip_gen: v7x
topology: tpu7x:2x2x1
jax: 0.10.2.dev20260603
libtpu: 0.0.44.dev20260713+nightly
codegen_flags: <defaults>
</compile_context>

<pallas_src>
import functools

import jax
import jax.numpy as jnp
from jax import lax
from jax.experimental import pallas as pl
from jax.experimental.pallas import tpu as pltpu
from jax.experimental.pallas import tpu_sc as plsc

VOCAB = 1000000
EMBED = 64
BATCH = 4096
SEQ = 200
SCALE = 8.0

NC = 2
NS = 16
NW = NC * NS

B_TOTAL = BATCH * SEQ
B_PER_W = B_TOTAL // NW
CHUNK = 128
N_CHUNKS = B_PER_W // CHUNK
N_PAIR = N_CHUNKS // 2

_mesh = plsc.VectorSubcoreMesh(core_axis_name="c", subcore_axis_name="s")


@functools.partial(
    pl.kernel,
    mesh=_mesh,
    out_type=jax.ShapeDtypeStruct((B_TOTAL, EMBED), jnp.float32),
    scratch_types=[
        pltpu.VMEM((B_PER_W,), jnp.int32),
        pltpu.VMEM((CHUNK, 128), jnp.float32),
        pltpu.VMEM((CHUNK, 128), jnp.float32),
        pltpu.VMEM((CHUNK, EMBED), jnp.float32),
        pltpu.VMEM((CHUNK, EMBED), jnp.float32),
        pltpu.SemaphoreType.DMA,
        pltpu.SemaphoreType.DMA,
        pltpu.SemaphoreType.DMA,
        pltpu.SemaphoreType.DMA,
    ],
    compiler_params=pltpu.CompilerParams(use_tc_tiling_on_sc=True),
)
def _emb_lookup(idx_hbm, table_hbm, out_hbm, idx_v,
                g0, g1, s0, s1, gsem0, gsem1, ssem0, ssem1):
    wid = lax.axis_index("s") * NC + lax.axis_index("c")
    base = wid * B_PER_W
    gbufs = (g0, g1)
    sbufs = (s0, s1)
    gsems = (gsem0, gsem1)
    ssems = (ssem0, ssem1)

    def idx_slice(j):
        return idx_v.at[pl.ds(j * CHUNK, CHUNK)]

    pltpu.sync_copy(idx_hbm.at[pl.ds(base, B_PER_W)], idx_v)
    pltpu.async_copy(table_hbm.at[idx_slice(0)], g0, gsem0)
    pltpu.async_copy(table_hbm.at[idx_slice(1)], g1, gsem1)

    def pair_body(jj, carry):
        for b in range(2):
            j = 2 * jj + b
            gb, sb, gs, ss = gbufs[b], sbufs[b], gsems[b], ssems[b]
            pltpu.make_async_copy(table_hbm.at[idx_slice(j)], gb, gs).wait()
            @pl.when(jj > 0)
            def _():
                pltpu.make_async_copy(sb, out_hbm.at[pl.ds(base, CHUNK)],
                                      ss).wait()
            ROWS_PER_IT = 4
            def row_body(r0, c2):
                vals = []
                for rr in range(ROWS_PER_IT):
                    for c in range(EMBED // 16):
                        vals.append(gb[r0 * ROWS_PER_IT + rr, pl.ds(c * 16, 16)])
                vals = [v * SCALE for v in vals]
                k = 0
                for rr in range(ROWS_PER_IT):
                    for c in range(EMBED // 16):
                        sb[r0 * ROWS_PER_IT + rr, pl.ds(c * 16, 16)] = vals[k]
                        k += 1
                return c2
            lax.fori_loop(0, CHUNK // ROWS_PER_IT, row_body, 0)
            @pl.when(jj < N_PAIR - 1)
            def _():
                pltpu.async_copy(table_hbm.at[idx_slice(j + 2)], gb, gs)
            pltpu.async_copy(sb, out_hbm.at[pl.ds(base + j * CHUNK, CHUNK)], ss)
        return carry

    lax.fori_loop(0, N_PAIR, pair_body, 0)
    pltpu.make_async_copy(s0, out_hbm.at[pl.ds(base, CHUNK)], ssem0).wait()
    pltpu.make_async_copy(s1, out_hbm.at[pl.ds(base, CHUNK)], ssem1).wait()


def kernel(input_ids, table):
    idx = input_ids.reshape(B_TOTAL).astype(jnp.int32)
    trows = jnp.pad(table, ((0, 0), (0, 128 - EMBED)))
    out = _emb_lookup(idx, trows)
    return out.reshape(BATCH, SEQ, EMBED)

# --- scband reference (transcript-rebuilt; emitter-appended) ---
"""Pipeline reference for scband-input-embedding-82257213653016 (READ-ONLY COPY).

The authoritative reference and input builder live on the scoring server;
editing this copy changes nothing except your own understanding.
"""

import jax, jax.numpy as jnp
import numpy as np

VOCAB = 1000000
EMBED = 64
BATCH = 4096
SEQ = 200

def setup_inputs(seed: int = 0) -> dict:
    key = jax.random.key(seed)
    k_idx, k_tab = jax.random.split(key)
    input_ids = jax.random.randint(k_idx, (BATCH, SEQ), 0, VOCAB, dtype=jnp.int64 if jax.config.jax_enable_x64 else jnp.int32)
    table = jax.random.normal(k_tab, (VOCAB, EMBED), dtype=jnp.float32) * 0.02
    return {"input_ids": input_ids, "table": table}

def reference(input_ids, table):
    # Embedding lookup: gather rows of the embedding table by token id,
    # scaled by sqrt(embed_size) as is conventional for transformer input embeddings.
    emb = jnp.take(table, input_ids, axis=0)
    return emb * jnp.sqrt(jnp.asarray(EMBED, dtype=emb.dtype))

if __name__ == "__main__":
    import jax
    _d = setup_inputs()
    print(jax.jit(kernel)(*tuple(_d.values())))

</pallas_src>

<mosaic_0001>
#map = affine_map<(d0, d1) -> (0)>
#map1 = affine_map<(d0, d1) -> (0, 0)>
module attributes {stable_mosaic.version = 14 : i64} {
  func.func @_emb_lookup(%arg0: i32, %arg1: i32, %arg2: memref<819200xi32, #tpu.memory_space<hbm>>, %arg3: memref<1000000x128xf32, #tpu.memory_space<hbm>>, %arg4: memref<819200x64xf32, #tpu.memory_space<hbm>>, %arg5: memref<25600xi32, #tpu.memory_space<vmem>>, %arg6: memref<128x128xf32, #tpu.memory_space<vmem>>, %arg7: memref<128x128xf32, #tpu.memory_space<vmem>>, %arg8: memref<128x64xf32, #tpu.memory_space<vmem>>, %arg9: memref<128x64xf32, #tpu.memory_space<vmem>>, %arg10: memref<!tpu.dma_semaphore, #tpu.memory_space<semaphore_mem>>, %arg11: memref<!tpu.dma_semaphore, #tpu.memory_space<semaphore_mem>>, %arg12: memref<!tpu.dma_semaphore, #tpu.memory_space<semaphore_mem>>, %arg13: memref<!tpu.dma_semaphore, #tpu.memory_space<semaphore_mem>>) attributes {dimension_semantics = [#tpu.dimension_semantics<core_parallel>, #tpu.dimension_semantics<subcore_parallel>], iteration_bounds = array<i64: 2, 16>, scalar_prefetch = 0 : i64, scratch_operands = 9 : i64, tpu.core_type = #tpu.core_type<sc_vector_subcore>, window_params = [{transform_indices = #map}, {transform_indices = #map1}, {transform_indices = #map1}]} {
    %mul3A = arith.constant 2 : i32
    %mul3A_0 = arith.muli %arg1, %mul3A : i32
    %add3A = arith.addi %mul3A_0, %arg0 : i32
    %mul3A_1 = arith.constant 25600 : i32
    %mul3A_2 = arith.muli %add3A, %mul3A_1 : i32
    "tpu.region"() ({
      %run_scoped3A = tpu.sem_alloc : memref<!tpu.dma_semaphore, #tpu.memory_space<semaphore_mem>>
      %dma_start3A_24 = tpu.memref_slice %arg2[%mul3A_2] : memref<819200xi32, #tpu.memory_space<hbm>> -> memref<25600xi32, #tpu.memory_space<hbm>>
      %dma_start3A_25 = tpu.memref_slice %arg2[%mul3A_2] : memref<819200xi32, #tpu.memory_space<hbm>> -> memref<25600xi32, #tpu.memory_space<hbm>>
      tpu.enqueue_dma source(%dma_start3A_25 : memref<25600xi32, #tpu.memory_space<hbm>>) target(%arg5 : memref<25600xi32, #tpu.memory_space<vmem>>) target_semaphore(%run_scoped3A : memref<!tpu.dma_semaphore, #tpu.memory_space<semaphore_mem>>)
      %dma_wait3A_26 = tpu.memref_slice %arg2[%mul3A_2] : memref<819200xi32, #tpu.memory_space<hbm>> -> memref<25600xi32, #tpu.memory_space<hbm>>
      %dma_wait3A_27 = tpu.memref_slice %arg2[%mul3A_2] : memref<819200xi32, #tpu.memory_space<hbm>> -> memref<25600xi32, #tpu.memory_space<hbm>>
      tpu.wait_dma2 semaphore(%run_scoped3A : memref<!tpu.dma_semaphore, #tpu.memory_space<semaphore_mem>>) src(%dma_wait3A_27 : memref<25600xi32, #tpu.memory_space<hbm>>) dst(%arg5 : memref<25600xi32, #tpu.memory_space<vmem>>)
      tpu.yield
    }) : () -> ()
    %dma_start3A = arith.constant 0 : i32
    %dma_start3A_3 = tpu.memref_slice %arg5[%dma_start3A] : memref<25600xi32, #tpu.memory_space<vmem>> -> memref<128xi32, #tpu.memory_space<vmem>>
    %dma_start3A_4 = arith.constant 0 : i32
    %dma_start3A_5 = arith.constant 0 : i32
    %dma_start3A_6 = tpu.memref_slice %arg3[%dma_start3A_4, %dma_start3A_5] : memref<1000000x128xf32, #tpu.memory_space<hbm>> -> memref<1000000x128xf32, #tpu.memory_space<hbm>>
    tpu.enqueue_indirect_dma source(%dma_start3A_6 : memref<1000000x128xf32, #tpu.memory_space<hbm>>) target(%arg6 : memref<128x128xf32, #tpu.memory_space<vmem>>) offsets(%dma_start3A_3 : memref<128xi32, #tpu.memory_space<vmem>>) semaphore(%arg10 : memref<!tpu.dma_semaphore, #tpu.memory_space<semaphore_mem>>)
    %dma_start3A_7 = arith.constant 128 : i32
    %dma_start3A_8 = tpu.memref_slice %arg5[%dma_start3A_7] : memref<25600xi32, #tpu.memory_space<vmem>> -> memref<128xi32, #tpu.memory_space<vmem>>
    %dma_start3A_9 = arith.constant 0 : i32
    %dma_start3A_10 = arith.constant 0 : i32
    %dma_start3A_11 = tpu.memref_slice %arg3[%dma_start3A_9, %dma_start3A_10] : memref<1000000x128xf32, #tpu.memory_space<hbm>> -> memref<1000000x128xf32, #tpu.memory_space<hbm>>
    tpu.enqueue_indirect_dma source(%dma_start3A_11 : memref<1000000x128xf32, #tpu.memory_space<hbm>>) target(%arg7 : memref<128x128xf32, #tpu.memory_space<vmem>>) offsets(%dma_start3A_8 : memref<128xi32, #tpu.memory_space<vmem>>) semaphore(%arg11 : memref<!tpu.dma_semaphore, #tpu.memory_space<semaphore_mem>>)
    %scan3A = arith.constant 0 : i32
    %scan3A_12 = arith.constant 0 : i32
    %scan3A_13 = arith.constant 100 : i32
    %scan3A_14 = arith.addi %scan3A_12, %scan3A_13 : i32
    %scan3A_15 = arith.constant 1 : i32
    scf.for %scan3A_24 = %scan3A_12 to %scan3A_14 step %scan3A_15  : i32 {
      %mul3A_25 = arith.constant 2 : i32
      %mul3A_26 = arith.muli %mul3A_25, %scan3A_24 : i32
      %add3A_27 = arith.constant 0 : i32
      %add3A_28 = arith.addi %mul3A_26, %add3A_27 : i32
      %mul3A_29 = arith.constant 128 : i32
      %mul3A_30 = arith.muli %add3A_28, %mul3A_29 : i32
      %dma_wait3A_31 = tpu.memref_slice %arg5[%mul3A_30] : memref<25600xi32, #tpu.memory_space<vmem>> -> memref<128xi32, #tpu.memory_space<vmem>>
      %dma_wait3A_32 = arith.constant 0 : i32
      %dma_wait3A_33 = arith.constant 0 : i32
      %dma_wait3A_34 = tpu.memref_slice %arg3[%dma_wait3A_32, %dma_wait3A_33] : memref<1000000x128xf32, #tpu.memory_space<hbm>> -> memref<1000000x128xf32, #tpu.memory_space<hbm>>
      tpu.wait_indirect_dma semaphore(%arg10 : memref<!tpu.dma_semaphore, #tpu.memory_space<semaphore_mem>>) src(%dma_wait3A_34 : memref<1000000x128xf32, #tpu.memory_space<hbm>>) dst(%arg6 : memref<128x128xf32, #tpu.memory_space<vmem>>)
      %gt3A = arith.constant 0 : i32
      %gt3A_35 = arith.cmpi sgt, %scan3A_24, %gt3A : i32
      %convert_element_type3A = arith.extui %gt3A_35 : i1 to i32
      %cond3A = arith.constant 0 : i32
      %cond3A_36 = arith.cmpi ne, %convert_element_type3A, %cond3A : i32
      scf.if %cond3A_36 {
        %dma_wait3A_87 = arith.constant 0 : i32
        %dma_wait3A_88 = tpu.memref_slice %arg4[%mul3A_2, %dma_wait3A_87] : memref<819200x64xf32, #tpu.memory_space<hbm>> -> memref<128x64xf32, #tpu.memory_space<hbm>>
        %dma_wait3A_89 = arith.constant 0 : i32
        %dma_wait3A_90 = tpu.memref_slice %arg4[%mul3A_2, %dma_wait3A_89] : memref<819200x64xf32, #tpu.memory_space<hbm>> -> memref<128x64xf32, #tpu.memory_space<hbm>>
        tpu.wait_dma2 semaphore(%arg12 : memref<!tpu.dma_semaphore, #tpu.memory_space<semaphore_mem>>) src(%arg8 : memref<128x64xf32, #tpu.memory_space<vmem>>) dst(%dma_wait3A_90 : memref<128x64xf32, #tpu.memory_space<hbm>>)
      } else {
      }
      %scan3A_37 = arith.constant 0 : i32
      %scan3A_38 = arith.constant 0 : i32
      %scan3A_39 = arith.constant 32 : i32
      %scan3A_40 = arith.addi %scan3A_38, %scan3A_39 : i32
      %scan3A_41 = arith.constant 1 : i32
      scf.for %scan3A_87 = %scan3A_38 to %scan3A_40 step %scan3A_41  : i32 {
        %mul3A_88 = arith.constant 4 : i32
        %mul3A_89 = arith.muli %scan3A_87, %mul3A_88 : i32
        %add3A_90 = arith.constant 0 : i32
        %add3A_91 = arith.addi %mul3A_89, %add3A_90 : i32
        %get3A = arith.index_cast %add3A_91 : i32 to index
        %get3A_92 = arith.constant 0 : index
        %get3A_93 = tpu.vector_load %arg6[%get3A, %get3A_92] {strides = array<i32>} : memref<128x128xf32, #tpu.memory_space<vmem>>, vector<1x16xf32>,
        %get3A_94 = vector.shape_cast %get3A_93 : vector<1x16xf32> to vector<16xf32>
        %mul3A_95 = arith.constant 4 : i32
        %mul3A_96 = arith.muli %scan3A_87, %mul3A_95 : i32
        %add3A_97 = arith.constant 0 : i32
        %add3A_98 = arith.addi %mul3A_96, %add3A_97 : i32
        %get3A_99 = arith.index_cast %add3A_98 : i32 to index
        %get3A_100 = arith.constant 16 : index
        %get3A_101 = tpu.vector_load %arg6[%get3A_99, %get3A_100] {strides = array<i32>} : memref<128x128xf32, #tpu.memory_space<vmem>>, vector<1x16xf32>,
        %get3A_102 = vector.shape_cast %get3A_101 : vector<1x16xf32> to vector<16xf32>
        %mul3A_103 = arith.constant 4 : i32
        %mul3A_104 = arith.muli %scan3A_87, %mul3A_103 : i32
        %add3A_105 = arith.constant 0 : i32
        %add3A_106 = arith.addi %mul3A_104, %add3A_105 : i32
        %get3A_107 = arith.index_cast %add3A_106 : i32 to index
        %get3A_108 = arith.constant 32 : index
        %get3A_109 = tpu.vector_load %arg6[%get3A_107, %get3A_108] {strides = array<i32>} : memref<128x128xf32, #tpu.memory_space<vmem>>, vector<1x16xf32>,
        %get3A_110 = vector.shape_cast %get3A_109 : vector<1x16xf32> to vector<16xf32>
        %mul3A_111 = arith.constant 4 : i32
        %mul3A_112 = arith.muli %scan3A_87, %mul3A_111 : i32
        %add3A_113 = arith.constant 0 : i32
        %add3A_114 = arith.addi %mul3A_112, %add3A_113 : i32
        %get3A_115 = arith.index_cast %add3A_114 : i32 to index
        %get3A_116 = arith.constant 48 : index
        %get3A_117 = tpu.vector_load %arg6[%get3A_115, %get3A_116] {strides = array<i32>} : memref<128x128xf32, #tpu.memory_space<vmem>>, vector<1x16xf32>,
        %get3A_118 = vector.shape_cast %get3A_117 : vector<1x16xf32> to vector<16xf32>
        %mul3A_119 = arith.constant 4 : i32
        %mul3A_120 = arith.muli %scan3A_87, %mul3A_119 : i32
        %add3A_121 = arith.constant 1 : i32
        %add3A_122 = arith.addi %mul3A_120, %add3A_121 : i32
        %get3A_123 = arith.index_cast %add3A_122 : i32 to index
        %get3A_124 = arith.constant 0 : index
        %get3A_125 = tpu.vector_load %arg6[%get3A_123, %get3A_124] {strides = array<i32>} : memref<128x128xf32, #tpu.memory_space<vmem>>, vector<1x16xf32>,
        %get3A_126 = vector.shape_cast %get3A_125 : vector<1x16xf32> to vector<16xf32>
        %mul3A_127 = arith.constant 4 : i32
        %mul3A_128 = arith.muli %scan3A_87, %mul3A_127 : i32
        %add3A_129 = arith.constant 1 : i32
        %add3A_130 = arith.addi %mul3A_128, %add3A_129 : i32
        %get3A_131 = arith.index_cast %add3A_130 : i32 to index
        %get3A_132 = arith.constant 16 : index
        %get3A_133 = tpu.vector_load %arg6[%get3A_131, %get3A_132] {strides = array<i32>} : memref<128x128xf32, #tpu.memory_space<vmem>>, vector<1x16xf32>,
        %get3A_134 = vector.shape_cast %get3A_133 : vector<1x16xf32> to vector<16xf32>
        %mul3A_135 = arith.constant 4 : i32
        %mul3A_136 = arith.muli %scan3A_87, %mul3A_135 : i32
        %add3A_137 = arith.constant 1 : i32
        %add3A_138 = arith.addi %mul3A_136, %add3A_137 : i32
        %get3A_139 = arith.index_cast %add3A_138 : i32 to index
        %get3A_140 = arith.constant 32 : index
        %get3A_141 = tpu.vector_load %arg6[%get3A_139, %get3A_140] {strides = array<i32>} : memref<128x128xf32, #tpu.memory_space<vmem>>, vector<1x16xf32>,
        %get3A_142 = vector.shape_cast %get3A_141 : vector<1x16xf32> to vector<16xf32>
        %mul3A_143 = arith.constant 4 : i32
        %mul3A_144 = arith.muli %scan3A_87, %mul3A_143 : i32
        %add3A_145 = arith.constant 1 : i32
        %add3A_146 = arith.addi %mul3A_144, %add3A_145 : i32
        %get3A_147 = arith.index_cast %add3A_146 : i32 to index
        %get3A_148 = arith.constant 48 : index
        %get3A_149 = tpu.vector_load %arg6[%get3A_147, %get3A_148] {strides = array<i32>} : memref<128x128xf32, #tpu.memory_space<vmem>>, vector<1x16xf32>,
        %get3A_150 = vector.shape_cast %get3A_149 : vector<1x16xf32> to vector<16xf32>
        %mul3A_151 = arith.constant 4 : i32
        %mul3A_152 = arith.muli %scan3A_87, %mul3A_151 : i32
        %add3A_153 = arith.constant 2 : i32
        %add3A_154 = arith.addi %mul3A_152, %add3A_153 : i32
        %get3A_155 = arith.index_cast %add3A_154 : i32 to index
        %get3A_156 = arith.constant 0 : index
        %get3A_157 = tpu.vector_load %arg6[%get3A_155, %get3A_156] {strides = array<i32>} : memref<128x128xf32, #tpu.memory_space<vmem>>, vector<1x16xf32>,
        %get3A_158 = vector.shape_cast %get3A_157 : vector<1x16xf32> to vector<16xf32>
        %mul3A_159 = arith.constant 4 : i32
        %mul3A_160 = arith.muli %scan3A_87, %mul3A_159 : i32
        %add3A_161 = arith.constant 2 : i32
        %add3A_162 = arith.addi %mul3A_160, %add3A_161 : i32
        %get3A_163 = arith.index_cast %add3A_162 : i32 to index
        %get3A_164 = arith.constant 16 : index
        %get3A_165 = tpu.vector_load %arg6[%get3A_163, %get3A_164] {strides = array<i32>} : memref<128x128xf32, #tpu.memory_space<vmem>>, vector<1x16xf32>,
        %get3A_166 = vector.shape_cast %get3A_165 : vector<1x16xf32> to vector<16xf32>
        %mul3A_167 = arith.constant 4 : i32
        %mul3A_168 = arith.muli %scan3A_87, %mul3A_167 : i32
        %add3A_169 = arith.constant 2 : i32
        %add3A_170 = arith.addi %mul3A_168, %add3A_169 : i32
        %get3A_171 = arith.index_cast %add3A_170 : i32 to index
        %get3A_172 = arith.constant 32 : index
        %get3A_173 = tpu.vector_load %arg6[%get3A_171, %get3A_172] {strides = array<i32>} : memref<128x128xf32, #tpu.memory_space<vmem>>, vector<1x16xf32>,
        %get3A_174 = vector.shape_cast %get3A_173 : vector<1x16xf32> to vector<16xf32>
        %mul3A_175 = arith.constant 4 : i32
        %mul3A_176 = arith.muli %scan3A_87, %mul3A_175 : i32
        %add3A_177 = arith.constant 2 : i32
        %add3A_178 = arith.addi %mul3A_176, %add3A_177 : i32
        %get3A_179 = arith.index_cast %add3A_178 : i32 to index
        %get3A_180 = arith.constant 48 : index
        %get3A_181 = tpu.vector_load %arg6[%get3A_179, %get3A_180] {strides = array<i32>} : memref<128x128xf32, #tpu.memory_space<vmem>>, vector<1x16xf32>,
        %get3A_182 = vector.shape_cast %get3A_181 : vector<1x16xf32> to vector<16xf32>
        %mul3A_183 = arith.constant 4 : i32
        %mul3A_184 = arith.muli %scan3A_87, %mul3A_183 : i32
        %add3A_185 = arith.constant 3 : i32
        %add3A_186 = arith.addi %mul3A_184, %add3A_185 : i32
        %get3A_187 = arith.index_cast %add3A_186 : i32 to index
        %get3A_188 = arith.constant 0 : index
        %get3A_189 = tpu.vector_load %arg6[%get3A_187, %get3A_188] {strides = array<i32>} : memref<128x128xf32, #tpu.memory_space<vmem>>, vector<1x16xf32>,
        %get3A_190 = vector.shape_cast %get3A_189 : vector<1x16xf32> to vector<16xf32>
        %mul3A_191 = arith.constant 4 : i32
        %mul3A_192 = arith.muli %scan3A_87, %mul3A_191 : i32
        %add3A_193 = arith.constant 3 : i32
        %add3A_194 = arith.addi %mul3A_192, %add3A_193 : i32
        %get3A_195 = arith.index_cast %add3A_194 : i32 to index
        %get3A_196 = arith.constant 16 : index
        %get3A_197 = tpu.vector_load %arg6[%get3A_195, %get3A_196] {strides = array<i32>} : memref<128x128xf32, #tpu.memory_space<vmem>>, vector<1x16xf32>,
        %get3A_198 = vector.shape_cast %get3A_197 : vector<1x16xf32> to vector<16xf32>
        %mul3A_199 = arith.constant 4 : i32
        %mul3A_200 = arith.muli %scan3A_87, %mul3A_199 : i32
        %add3A_201 = arith.constant 3 : i32
        %add3A_202 = arith.addi %mul3A_200, %add3A_201 : i32
        %get3A_203 = arith.index_cast %add3A_202 : i32 to index
        %get3A_204 = arith.constant 32 : index
        %get3A_205 = tpu.vector_load %arg6[%get3A_203, %get3A_204] {strides = array<i32>} : memref<128x128xf32, #tpu.memory_space<vmem>>, vector<1x16xf32>,
        %get3A_206 = vector.shape_cast %get3A_205 : vector<1x16xf32> to vector<16xf32>
        %mul3A_207 = arith.constant 4 : i32
        %mul3A_208 = arith.muli %scan3A_87, %mul3A_207 : i32
        %add3A_209 = arith.constant 3 : i32
        %add3A_210 = arith.addi %mul3A_208, %add3A_209 : i32
        %get3A_211 = arith.index_cast %add3A_210 : i32 to index
        %get3A_212 = arith.constant 48 : index
        %get3A_213 = tpu.vector_load %arg6[%get3A_211, %get3A_212] {strides = array<i32>} : memref<128x128xf32, #tpu.memory_space<vmem>>, vector<1x16xf32>,
        %get3A_214 = vector.shape_cast %get3A_213 : vector<1x16xf32> to vector<16xf32>
        %mul3A_215 = arith.constant 8.000000e+00 : f32
        %mul3A_216 = vector.broadcast %mul3A_215 : f32 to vector<16xf32>
        %mul3A_217 = arith.mulf %get3A_94, %mul3A_216 : vector<16xf32>
        %mul3A_218 = arith.constant 8.000000e+00 : f32
        %mul3A_219 = vector.broadcast %mul3A_218 : f32 to vector<16xf32>
        %mul3A_220 = arith.mulf %get3A_102, %mul3A_219 : vector<16xf32>
        %mul3A_221 = arith.constant 8.000000e+00 : f32
        %mul3A_222 = vector.broadcast %mul3A_221 : f32 to vector<16xf32>
        %mul3A_223 = arith.mulf %get3A_110, %mul3A_222 : vector<16xf32>
        %mul3A_224 = arith.constant 8.000000e+00 : f32
        %mul3A_225 = vector.broadcast %mul3A_224 : f32 to vector<16xf32>
        %mul3A_226 = arith.mulf %get3A_118, %mul3A_225 : vector<16xf32>
        %mul3A_227 = arith.constant 8.000000e+00 : f32
        %mul3A_228 = vector.broadcast %mul3A_227 : f32 to vector<16xf32>
        %mul3A_229 = arith.mulf %get3A_126, %mul3A_228 : vector<16xf32>
        %mul3A_230 = arith.constant 8.000000e+00 : f32
        %mul3A_231 = vector.broadcast %mul3A_230 : f32 to vector<16xf32>
        %mul3A_232 = arith.mulf %get3A_134, %mul3A_231 : vector<16xf32>
        %mul3A_233 = arith.constant 8.000000e+00 : f32
        %mul3A_234 = vector.broadcast %mul3A_233 : f32 to vector<16xf32>
        %mul3A_235 = arith.mulf %get3A_142, %mul3A_234 : vector<16xf32>
        %mul3A_236 = arith.constant 8.000000e+00 : f32
        %mul3A_237 = vector.broadcast %mul3A_236 : f32 to vector<16xf32>
        %mul3A_238 = arith.mulf %get3A_150, %mul3A_237 : vector<16xf32>
        %mul3A_239 = arith.constant 8.000000e+00 : f32
        %mul3A_240 = vector.broadcast %mul3A_239 : f32 to vector<16xf32>
        %mul3A_241 = arith.mulf %get3A_158, %mul3A_240 : vector<16xf32>
        %mul3A_242 = arith.constant 8.000000e+00 : f32
        %mul3A_243 = vector.broadcast %mul3A_242 : f32 to vector<16xf32>
        %mul3A_244 = arith.mulf %get3A_166, %mul3A_243 : vector<16xf32>
        %mul3A_245 = arith.constant 8.000000e+00 : f32
        %mul3A_246 = vector.broadcast %mul3A_245 : f32 to vector<16xf32>
        %mul3A_247 = arith.mulf %get3A_174, %mul3A_246 : vector<16xf32>
        %mul3A_248 = arith.constant 8.000000e+00 : f32
        %mul3A_249 = vector.broadcast %mul3A_248 : f32 to vector<16xf32>
        %mul3A_250 = arith.mulf %get3A_182, %mul3A_249 : vector<16xf32>
        %mul3A_251 = arith.constant 8.000000e+00 : f32
        %mul3A_252 = vector.broadcast %mul3A_251 : f32 to vector<16xf32>
        %mul3A_253 = arith.mulf %get3A_190, %mul3A_252 : vector<16xf32>
        %mul3A_254 = arith.constant 8.000000e+00 : f32
        %mul3A_255 = vector.broadcast %mul3A_254 : f32 to vector<16xf32>
        %mul3A_256 = arith.mulf %get3A_198, %mul3A_255 : vector<16xf32>
        %mul3A_257 = arith.constant 8.000000e+00 : f32
        %mul3A_258 = vector.broadcast %mul3A_257 : f32 to vector<16xf32>
        %mul3A_259 = arith.mulf %get3A_206, %mul3A_258 : vector<16xf32>
        %mul3A_260 = arith.constant 8.000000e+00 : f32
        %mul3A_261 = vector.broadcast %mul3A_260 : f32 to vector<16xf32>
        %mul3A_262 = arith.mulf %get3A_214, %mul3A_261 : vector<16xf32>
        %mul3A_263 = arith.constant 4 : i32
        %mul3A_264 = arith.muli %scan3A_87, %mul3A_263 : i32
        %add3A_265 = arith.constant 0 : i32
        %add3A_266 = arith.addi %mul3A_264, %add3A_265 : i32
        %swap3A = arith.index_cast %add3A_266 : i32 to index
        %swap3A_267 = arith.constant 0 : index
        %swap3A_268 = tpu.vector_load %arg8[%swap3A, %swap3A_267] {strides = array<i32>} : memref<128x64xf32, #tpu.memory_space<vmem>>, vector<1x16xf32>,
        %swap3A_269 = vector.shape_cast %swap3A_268 : vector<1x16xf32> to vector<16xf32>
        %swap3A_270 = vector.shape_cast %mul3A_217 : vector<16xf32> to vector<1x16xf32>
        tpu.vector_store %arg8[%swap3A, %swap3A_267], %swap3A_270 {strides = array<i32>} : memref<128x64xf32, #tpu.memory_space<vmem>>, vector<1x16xf32>,
        %mul3A_271 = arith.constant 4 : i32
        %mul3A_272 = arith.muli %scan3A_87, %mul3A_271 : i32
        %add3A_273 = arith.constant 0 : i32
        %add3A_274 = arith.addi %mul3A_272, %add3A_273 : i32
        %swap3A_275 = arith.index_cast %add3A_274 : i32 to index
        %swap3A_276 = arith.constant 16 : index
        %swap3A_277 = tpu.vector_load %arg8[%swap3A_275, %swap3A_276] {strides = array<i32>} : memref<128x64xf32, #tpu.memory_space<vmem>>, vector<1x16xf32>,
        %swap3A_278 = vector.shape_cast %swap3A_277 : vector<1x16xf32> to vector<16xf32>
        %swap3A_279 = vector.shape_cast %mul3A_220 : vector<16xf32> to vector<1x16xf32>
        tpu.vector_store %arg8[%swap3A_275, %swap3A_276], %swap3A_279 {strides = array<i32>} : memref<128x64xf32, #tpu.memory_space<vmem>>, vector<1x16xf32>,
        %mul3A_280 = arith.constant 4 : i32
        %mul3A_281 = arith.muli %scan3A_87, %mul3A_280 : i32
        %add3A_282 = arith.constant 0 : i32
        %add3A_283 = arith.addi %mul3A_281, %add3A_282 : i32
        %swap3A_284 = arith.index_cast %add3A_283 : i32 to index
        %swap3A_285 = arith.constant 32 : index
        %swap3A_286 = tpu.vector_load %arg8[%swap3A_284, %swap3A_285] {strides = array<i32>} : memref<128x64xf32, #tpu.memory_space<vmem>>, vector<1x16xf32>,
        %swap3A_287 = vector.shape_cast %swap3A_286 : vector<1x16xf32> to vector<16xf32>
        %swap3A_288 = vector.shape_cast %mul3A_223 : vector<16xf32> to vector<1x16xf32>
        tpu.vector_store %arg8[%swap3A_284, %swap3A_285], %swap3A_288 {strides = array<i32>} : memref<128x64xf32, #tpu.memory_space<vmem>>, vector<1x16xf32>,
        %mul3A_289 = arith.constant 4 : i32
        %mul3A_290 = arith.muli %scan3A_87, %mul3A_289 : i32
        %add3A_291 = arith.constant 0 : i32
        %add3A_292 = arith.addi %mul3A_290, %add3A_291 : i32
        %swap3A_293 = arith.index_cast %add3A_292 : i32 to index
        %swap3A_294 = arith.constant 48 : index
        %swap3A_295 = tpu.vector_load %arg8[%swap3A_293, %swap3A_294] {strides = array<i32>} : memref<128x64xf32, #tpu.memory_space<vmem>>, vector<1x16xf32>,
        %swap3A_296 = vector.shape_cast %swap3A_295 : vector<1x16xf32> to vector<16xf32>
        %swap3A_297 = vector.shape_cast %mul3A_226 : vector<16xf32> to vector<1x16xf32>
        tpu.vector_store %arg8[%swap3A_293, %swap3A_294], %swap3A_297 {strides = array<i32>} : memref<128x64xf32, #tpu.memory_space<vmem>>, vector<1x16xf32>,
        %mul3A_298 = arith.constant 4 : i32
        %mul3A_299 = arith.muli %scan3A_87, %mul3A_298 : i32
        %add3A_300 = arith.constant 1 : i32
        %add3A_301 = arith.addi %mul3A_299, %add3A_300 : i32
        %swap3A_302 = arith.index_cast %add3A_301 : i32 to index
        %swap3A_303 = arith.constant 0 : index
        %swap3A_304 = tpu.vector_load %arg8[%swap3A_302, %swap3A_303] {strides = array<i32>} : memref<128x64xf32, #tpu.memory_space<vmem>>, vector<1x16xf32>,
        %swap3A_305 = vector.shape_cast %swap3A_304 : vector<1x16xf32> to vector<16xf32>
        %swap3A_306 = vector.shape_cast %mul3A_229 : vector<16xf32> to vector<1x16xf32>
        tpu.vector_store %arg8[%swap3A_302, %swap3A_303], %swap3A_306 {strides = array<i32>} : memref<128x64xf32, #tpu.memory_space<vmem>>, vector<1x16xf32>,
        %mul3A_307 = arith.constant 4 : i32
        %mul3A_308 = arith.muli %scan3A_87, %mul3A_307 : i32
        %add3A_309 = arith.constant 1 : i32
        %add3A_310 = arith.addi %mul3A_308, %add3A_309 : i32
        %swap3A_311 = arith.index_cast %add3A_310 : i32 to index
        %swap3A_312 = arith.constant 16 : index
        %swap3A_313 = tpu.vector_load %arg8[%swap3A_311, %swap3A_312] {strides = array<i32>} : memref<128x64xf32, #tpu.memory_space<vmem>>, vector<1x16xf32>,
        %swap3A_314 = vector.shape_cast %swap3A_313 : vector<1x16xf32> to vector<16xf32>
        %swap3A_315 = vector.shape_cast %mul3A_232 : vector<16xf32> to vector<1x16xf32>
        tpu.vector_store %arg8[%swap3A_311, %swap3A_312], %swap3A_315 {strides = array<i32>} : memref<128x64xf32, #tpu.memory_space<vmem>>, vector<1x16xf32>,
        %mul3A_316 = arith.constant 4 : i32
        %mul3A_317 = arith.muli %scan3A_87, %mul3A_316 : i32
        %add3A_318 = arith.constant 1 : i32
        %add3A_319 = arith.addi %mul3A_317, %add3A_318 : i32
        %swap3A_320 = arith.index_cast %add3A_319 : i32 to index
        %swap3A_321 = arith.constant 32 : index
        %swap3A_322 = tpu.vector_load %arg8[%swap3A_320, %swap3A_321] {strides = array<i32>} : memref<128x64xf32, #tpu.memory_space<vmem>>, vector<1x16xf32>,
        %swap3A_323 = vector.shape_cast %swap3A_322 : vector<1x16xf32> to vector<16xf32>
        %swap3A_324 = vector.shape_cast %mul3A_235 : vector<16xf32> to vector<1x16xf32>
        tpu.vector_store %arg8[%swap3A_320, %swap3A_321], %swap3A_324 {strides = array<i32>} : memref<128x64xf32, #tpu.memory_space<vmem>>, vector<1x16xf32>,
        %mul3A_325 = arith.constant 4 : i32
        %mul3A_326 = arith.muli %scan3A_87, %mul3A_325 : i32
        %add3A_327 = arith.constant 1 : i32
        %add3A_328 = arith.addi %mul3A_326, %add3A_327 : i32
        %swap3A_329 = arith.index_cast %add3A_328 : i32 to index
        %swap3A_330 = arith.constant 48 : index
        %swap3A_331 = tpu.vector_load %arg8[%swap3A_329, %swap3A_330] {strides = array<i32>} : memref<128x64xf32, #tpu.memory_space<vmem>>, vector<1x16xf32>,
        %swap3A_332 = vector.shape_cast %swap3A_331 : vector<1x16xf32> to vector<16xf32>
        %swap3A_333 = vector.shape_cast %mul3A_238 : vector<16xf32> to vector<1x16xf32>
        tpu.vector_store %arg8[%swap3A_329, %swap3A_330], %swap3A_333 {strides = array<i32>} : memref<128x64xf32, #tpu.memory_space<vmem>>, vector<1x16xf32>,
        %mul3A_334 = arith.constant 4 : i32
        %mul3A_335 = arith.muli %scan3A_87, %mul3A_334 : i32
        %add3A_336 = arith.constant 2 : i32
        %add3A_337 = arith.addi %mul3A_335, %add3A_336 : i32
        %swap3A_338 = arith.index_cast %add3A_337 : i32 to index
        %swap3A_339 = arith.constant 0 : index
        %swap3A_340 = tpu.vector_load %arg8[%swap3A_338, %swap3A_339] {strides = array<i32>} : memref<128x64xf32, #tpu.memory_space<vmem>>, vector<1x16xf32>,
        %swap3A_341 = vector.shape_cast %swap3A_340 : vector<1x16xf32> to vector<16xf32>
        %swap3A_342 = vector.shape_cast %mul3A_241 : vector<16xf32> to vector<1x16xf32>
        tpu.vector_store %arg8[%swap3A_338, %swap3A_339], %swap3A_342 {strides = array<i32>} : memref<128x64xf32, #tpu.memory_space<vmem>>, vector<1x16xf32>,
        %mul3A_343 = arith.constant 4 : i32
        %mul3A_344 = arith.muli %scan3A_87, %mul3A_343 : i32
        %add3A_345 = arith.constant 2 : i32
        %add3A_346 = arith.addi %mul3A_344, %add3A_345 : i32
        %swap3A_347 = arith.index_cast %add3A_346 : i32 to index
        %swap3A_348 = arith.constant 16 : index
        %swap3A_349 = tpu.vector_load %arg8[%swap3A_347, %swap3A_348] {strides = array<i32>} : memref<128x64xf32, #tpu.memory_space<vmem>>, vector<1x16xf32>,
        %swap3A_350 = vector.shape_cast %swap3A_349 : vector<1x16xf32> to vector<16xf32>
        %swap3A_351 = vector.shape_cast %mul3A_244 : vector<16xf32> to vector<1x16xf32>
        tpu.vector_store %arg8[%swap3A_347, %swap3A_348], %swap3A_351 {strides = array<i32>} : memref<128x64xf32, #tpu.memory_space<vmem>>, vector<1x16xf32>,
        %mul3A_352 = arith.constant 4 : i32
        %mul3A_353 = arith.muli %scan3A_87, %mul3A_352 : i32
        %add3A_354 = arith.constant 2 : i32
        %add3A_355 = arith.addi %mul3A_353, %add3A_354 : i32
        %swap3A_356 = arith.index_cast %add3A_355 : i32 to index
        %swap3A_357 = arith.constant 32 : index
        %swap3A_358 = tpu.vector_load %arg8[%swap3A_356, %swap3A_357] {strides = array<i32>} : memref<128x64xf32, #tpu.memory_space<vmem>>, vector<1x16xf32>,
        %swap3A_359 = vector.shape_cast %swap3A_358 : vector<1x16xf32> to vector<16xf32>
        %swap3A_360 = vector.shape_cast %mul3A_247 : vector<16xf32> to vector<1x16xf32>
        tpu.vector_store %arg8[%swap3A_356, %swap3A_357], %swap3A_360 {strides = array<i32>} : memref<128x64xf32, #tpu.memory_space<vmem>>, vector<1x16xf32>,
        %mul3A_361 = arith.constant 4 : i32
        %mul3A_362 = arith.muli %scan3A_87, %mul3A_361 : i32
        %add3A_363 = arith.constant 2 : i32
        %add3A_364 = arith.addi %mul3A_362, %add3A_363 : i32
        %swap3A_365 = arith.index_cast %add3A_364 : i32 to index
        %swap3A_366 = arith.constant 48 : index
        %swap3A_367 = tpu.vector_load %arg8[%swap3A_365, %swap3A_366] {strides = array<i32>} : memref<128x64xf32, #tpu.memory_space<vmem>>, vector<1x16xf32>,
        %swap3A_368 = vector.shape_cast %swap3A_367 : vector<1x16xf32> to vector<16xf32>
        %swap3A_369 = vector.shape_cast %mul3A_250 : vector<16xf32> to vector<1x16xf32>
        tpu.vector_store %arg8[%swap3A_365, %swap3A_366], %swap3A_369 {strides = array<i32>} : memref<128x64xf32, #tpu.memory_space<vmem>>, vector<1x16xf32>,
        %mul3A_370 = arith.constant 4 : i32
        %mul3A_371 = arith.muli %scan3A_87, %mul3A_370 : i32
        %add3A_372 = arith.constant 3 : i32
        %add3A_373 = arith.addi %mul3A_371, %add3A_372 : i32
        %swap3A_374 = arith.index_cast %add3A_373 : i32 to index
        %swap3A_375 = arith.constant 0 : index
        %swap3A_376 = tpu.vector_load %arg8[%swap3A_374, %swap3A_375] {strides = array<i32>} : memref<128x64xf32, #tpu.memory_space<vmem>>, vector<1x16xf32>,
        %swap3A_377 = vector.shape_cast %swap3A_376 : vector<1x16xf32> to vector<16xf32>
        %swap3A_378 = vector.shape_cast %mul3A_253 : vector<16xf32> to vector<1x16xf32>
        tpu.vector_store %arg8[%swap3A_374, %swap3A_375], %swap3A_378 {strides = array<i32>} : memref<128x64xf32, #tpu.memory_space<vmem>>, vector<1x16xf32>,
        %mul3A_379 = arith.constant 4 : i32
        %mul3A_380 = arith.muli %scan3A_87, %mul3A_379 : i32
        %add3A_381 = arith.constant 3 : i32
        %add3A_382 = arith.addi %mul3A_380, %add3A_381 : i32
        %swap3A_383 = arith.index_cast %add3A_382 : i32 to index
        %swap3A_384 = arith.constant 16 : index
        %swap3A_385 = tpu.vector_load %arg8[%swap3A_383, %swap3A_384] {strides = array<i32>} : memref<128x64xf32, #tpu.memory_space<vmem>>, vector<1x16xf32>,
        %swap3A_386 = vector.shape_cast %swap3A_385 : vector<1x16xf32> to vector<16xf32>
        %swap3A_387 = vector.shape_cast %mul3A_256 : vector<16xf32> to vector<1x16xf32>
        tpu.vector_store %arg8[%swap3A_383, %swap3A_384], %swap3A_387 {strides = array<i32>} : memref<128x64xf32, #tpu.memory_space<vmem>>, vector<1x16xf32>,
        %mul3A_388 = arith.constant 4 : i32
        %mul3A_389 = arith.muli %scan3A_87, %mul3A_388 : i32
        %add3A_390 = arith.constant 3 : i32
        %add3A_391 = arith.addi %mul3A_389, %add3A_390 : i32
        %swap3A_392 = arith.index_cast %add3A_391 : i32 to index
        %swap3A_393 = arith.constant 32 : index
        %swap3A_394 = tpu.vector_load %arg8[%swap3A_392, %swap3A_393] {strides = array<i32>} : memref<128x64xf32, #tpu.memory_space<vmem>>, vector<1x16xf32>,
        %swap3A_395 = vector.shape_cast %swap3A_394 : vector<1x16xf32> to vector<16xf32>
        %swap3A_396 = vector.shape_cast %mul3A_259 : vector<16xf32> to vector<1x16xf32>
        tpu.vector_store %arg8[%swap3A_392, %swap3A_393], %swap3A_396 {strides = array<i32>} : memref<128x64xf32, #tpu.memory_space<vmem>>, vector<1x16xf32>,
        %mul3A_397 = arith.constant 4 : i32
        %mul3A_398 = arith.muli %scan3A_87, %mul3A_397 : i32
        %add3A_399 = arith.constant 3 : i32
        %add3A_400 = arith.addi %mul3A_398, %add3A_399 : i32
        %swap3A_401 = arith.index_cast %add3A_400 : i32 to index
        %swap3A_402 = arith.constant 48 : index
        %swap3A_403 = tpu.vector_load %arg8[%swap3A_401, %swap3A_402] {strides = array<i32>} : memref<128x64xf32, #tpu.memory_space<vmem>>, vector<1x16xf32>,
        %swap3A_404 = vector.shape_cast %swap3A_403 : vector<1x16xf32> to vector<16xf32>
        %swap3A_405 = vector.shape_cast %mul3A_262 : vector<16xf32> to vector<1x16xf32>
        tpu.vector_store %arg8[%swap3A_401, %swap3A_402], %swap3A_405 {strides = array<i32>} : memref<128x64xf32, #tpu.memory_space<vmem>>, vector<1x16xf32>,
      }
      %scan3A_42 = arith.constant 32 : i32
      %lt3A = arith.constant 99 : i32
      %lt3A_43 = arith.cmpi slt, %scan3A_24, %lt3A : i32
      %convert_element_type3A_44 = arith.extui %lt3A_43 : i1 to i32
      %cond3A_45 = arith.constant 0 : i32
      %cond3A_46 = arith.cmpi ne, %convert_element_type3A_44, %cond3A_45 : i32
      scf.if %cond3A_46 {
        %add3A_87 = arith.constant 2 : i32
        %add3A_88 = arith.addi %add3A_28, %add3A_87 : i32
        %mul3A_89 = arith.constant 128 : i32
        %mul3A_90 = arith.muli %add3A_88, %mul3A_89 : i32
        %dma_start3A_91 = tpu.memref_slice %arg5[%mul3A_90] : memref<25600xi32, #tpu.memory_space<vmem>> -> memref<128xi32, #tpu.memory_space<vmem>>
        %dma_start3A_92 = arith.constant 0 : i32
        %dma_start3A_93 = arith.constant 0 : i32
        %dma_start3A_94 = tpu.memref_slice %arg3[%dma_start3A_92, %dma_start3A_93] : memref<1000000x128xf32, #tpu.memory_space<hbm>> -> memref<1000000x128xf32, #tpu.memory_space<hbm>>
        tpu.enqueue_indirect_dma source(%dma_start3A_94 : memref<1000000x128xf32, #tpu.memory_space<hbm>>) target(%arg6 : memref<128x128xf32, #tpu.memory_space<vmem>>) offsets(%dma_start3A_91 : memref<128xi32, #tpu.memory_space<vmem>>) semaphore(%arg10 : memref<!tpu.dma_semaphore, #tpu.memory_space<semaphore_mem>>)
      } else {
      }
      %mul3A_47 = arith.constant 128 : i32
      %mul3A_48 = arith.muli %add3A_28, %mul3A_47 : i32
      %add3A_49 = arith.addi %mul3A_2, %mul3A_48 : i32
      %dma_start3A_50 = arith.constant 0 : i32
      %dma_start3A_51 = tpu.memref_slice %arg4[%add3A_49, %dma_start3A_50] : memref<819200x64xf32, #tpu.memory_space<hbm>> -> memref<128x64xf32, #tpu.memory_space<hbm>>
      %dma_start3A_52 = arith.constant 0 : i32
      %dma_start3A_53 = tpu.memref_slice %arg4[%add3A_49, %dma_start3A_52] : memref<819200x64xf32, #tpu.memory_space<hbm>> -> memref<128x64xf32, #tpu.memory_space<hbm>>
      tpu.enqueue_dma source(%arg8 : memref<128x64xf32, #tpu.memory_space<vmem>>) target(%dma_start3A_53 : memref<128x64xf32, #tpu.memory_space<hbm>>) target_semaphore(%arg12 : memref<!tpu.dma_semaphore, #tpu.memory_space<semaphore_mem>>)
      %mul3A_54 = arith.constant 2 : i32
      %mul3A_55 = arith.muli %mul3A_54, %scan3A_24 : i32
      %add3A_56 = arith.constant 1 : i32
      %add3A_57 = arith.addi %mul3A_55, %add3A_56 : i32
      %mul3A_58 = arith.constant 128 : i32
      %mul3A_59 = arith.muli %add3A_57, %mul3A_58 : i32
      %dma_wait3A_60 = tpu.memref_slice %arg5[%mul3A_59] : memref<25600xi32, #tpu.memory_space<vmem>> -> memref<128xi32, #tpu.memory_space<vmem>>
      %dma_wait3A_61 = arith.constant 0 : i32
      %dma_wait3A_62 = arith.constant 0 : i32
      %dma_wait3A_63 = tpu.memref_slice %arg3[%dma_wait3A_61, %dma_wait3A_62] : memref<1000000x128xf32, #tpu.memory_space<hbm>> -> memref<1000000x128xf32, #tpu.memory_space<hbm>>
      tpu.wait_indirect_dma semaphore(%arg11 : memref<!tpu.dma_semaphore, #tpu.memory_space<semaphore_mem>>) src(%dma_wait3A_63 : memref<1000000x128xf32, #tpu.memory_space<hbm>>) dst(%arg7 : memref<128x128xf32, #tpu.memory_space<vmem>>)
      %gt3A_64 = arith.constant 0 : i32
      %gt3A_65 = arith.cmpi sgt, %scan3A_24, %gt3A_64 : i32
      %convert_element_type3A_66 = arith.extui %gt3A_65 : i1 to i32
      %cond3A_67 = arith.constant 0 : i32
      %cond3A_68 = arith.cmpi ne, %convert_element_type3A_66, %cond3A_67 : i32
      scf.if %cond3A_68 {
        %dma_wait3A_87 = arith.constant 0 : i32
        %dma_wait3A_88 = tpu.memref_slice %arg4[%mul3A_2, %dma_wait3A_87] : memref<819200x64xf32, #tpu.memory_space<hbm>> -> memref<128x64xf32, #tpu.memory_space<hbm>>
        %dma_wait3A_89 = arith.constant 0 : i32
        %dma_wait3A_90 = tpu.memref_slice %arg4[%mul3A_2, %dma_wait3A_89] : memref<819200x64xf32, #tpu.memory_space<hbm>> -> memref<128x64xf32, #tpu.memory_space<hbm>>
        tpu.wait_dma2 semaphore(%arg13 : memref<!tpu.dma_semaphore, #tpu.memory_space<semaphore_mem>>) src(%arg9 : memref<128x64xf32, #tpu.memory_space<vmem>>) dst(%dma_wait3A_90 : memref<128x64xf32, #tpu.memory_space<hbm>>)
      } else {
      }
      %scan3A_69 = arith.constant 0 : i32
      %scan3A_70 = arith.constant 0 : i32
      %scan3A_71 = arith.constant 32 : i32
      %scan3A_72 = arith.addi %scan3A_70, %scan3A_71 : i32
      %scan3A_73 = arith.constant 1 : i32
      scf.for %scan3A_87 = %scan3A_70 to %scan3A_72 step %scan3A_73  : i32 {
        %mul3A_88 = arith.constant 4 : i32
        %mul3A_89 = arith.muli %scan3A_87, %mul3A_88 : i32
        %add3A_90 = arith.constant 0 : i32
        %add3A_91 = arith.addi %mul3A_89, %add3A_90 : i32
        %get3A = arith.index_cast %add3A_91 : i32 to index
        %get3A_92 = arith.constant 0 : index
        %get3A_93 = tpu.vector_load %arg7[%get3A, %get3A_92] {strides = array<i32>} : memref<128x128xf32, #tpu.memory_space<vmem>>, vector<1x16xf32>,
        %get3A_94 = vector.shape_cast %get3A_93 : vector<1x16xf32> to vector<16xf32>
        %mul3A_95 = arith.constant 4 : i32
        %mul3A_96 = arith.muli %scan3A_87, %mul3A_95 : i32
        %add3A_97 = arith.constant 0 : i32
        %add3A_98 = arith.addi %mul3A_96, %add3A_97 : i32
        %get3A_99 = arith.index_cast %add3A_98 : i32 to index
        %get3A_100 = arith.constant 16 : index
        %get3A_101 = tpu.vector_load %arg7[%get3A_99, %get3A_100] {strides = array<i32>} : memref<128x128xf32, #tpu.memory_space<vmem>>, vector<1x16xf32>,
        %get3A_102 = vector.shape_cast %get3A_101 : vector<1x16xf32> to vector<16xf32>
        %mul3A_103 = arith.constant 4 : i32
        %mul3A_104 = arith.muli %scan3A_87, %mul3A_103 : i32
        %add3A_105 = arith.constant 0 : i32
        %add3A_106 = arith.addi %mul3A_104, %add3A_105 : i32
        %get3A_107 = arith.index_cast %add3A_106 : i32 to index
        %get3A_108 = arith.constant 32 : index
        %get3A_109 = tpu.vector_load %arg7[%get3A_107, %get3A_108] {strides = array<i32>} : memref<128x128xf32, #tpu.memory_space<vmem>>, vector<1x16xf32>,
        %get3A_110 = vector.shape_cast %get3A_109 : vector<1x16xf32> to vector<16xf32>
        %mul3A_111 = arith.constant 4 : i32
        %mul3A_112 = arith.muli %scan3A_87, %mul3A_111 : i32
        %add3A_113 = arith.constant 0 : i32
        %add3A_114 = arith.addi %mul3A_112, %add3A_113 : i32
        %get3A_115 = arith.index_cast %add3A_114 : i32 to index
        %get3A_116 = arith.constant 48 : index
        %get3A_117 = tpu.vector_load %arg7[%get3A_115, %get3A_116] {strides = array<i32>} : memref<128x128xf32, #tpu.memory_space<vmem>>, vector<1x16xf32>,
        %get3A_118 = vector.shape_cast %get3A_117 : vector<1x16xf32> to vector<16xf32>
        %mul3A_119 = arith.constant 4 : i32
        %mul3A_120 = arith.muli %scan3A_87, %mul3A_119 : i32
        %add3A_121 = arith.constant 1 : i32
        %add3A_122 = arith.addi %mul3A_120, %add3A_121 : i32
        %get3A_123 = arith.index_cast %add3A_122 : i32 to index
        %get3A_124 = arith.constant 0 : index
        %get3A_125 = tpu.vector_load %arg7[%get3A_123, %get3A_124] {strides = array<i32>} : memref<128x128xf32, #tpu.memory_space<vmem>>, vector<1x16xf32>,
        %get3A_126 = vector.shape_cast %get3A_125 : vector<1x16xf32> to vector<16xf32>
        %mul3A_127 = arith.constant 4 : i32
        %mul3A_128 = arith.muli %scan3A_87, %mul3A_127 : i32
        %add3A_129 = arith.constant 1 : i32
        %add3A_130 = arith.addi %mul3A_128, %add3A_129 : i32
        %get3A_131 = arith.index_cast %add3A_130 : i32 to index
        %get3A_132 = arith.constant 16 : index
        %get3A_133 = tpu.vector_load %arg7[%get3A_131, %get3A_132] {strides = array<i32>} : memref<128x128xf32, #tpu.memory_space<vmem>>, vector<1x16xf32>,
        %get3A_134 = vector.shape_cast %get3A_133 : vector<1x16xf32> to vector<16xf32>
        %mul3A_135 = arith.constant 4 : i32
        %mul3A_136 = arith.muli %scan3A_87, %mul3A_135 : i32
        %add3A_137 = arith.constant 1 : i32
        %add3A_138 = arith.addi %mul3A_136, %add3A_137 : i32
        %get3A_139 = arith.index_cast %add3A_138 : i32 to index
        %get3A_140 = arith.constant 32 : index
        %get3A_141 = tpu.vector_load %arg7[%get3A_139, %get3A_140] {strides = array<i32>} : memref<128x128xf32, #tpu.memory_space<vmem>>, vector<1x16xf32>,
        %get3A_142 = vector.shape_cast %get3A_141 : vector<1x16xf32> to vector<16xf32>
        %mul3A_143 = arith.constant 4 : i32
        %mul3A_144 = arith.muli %scan3A_87, %mul3A_143 : i32
        %add3A_145 = arith.constant 1 : i32
        %add3A_146 = arith.addi %mul3A_144, %add3A_145 : i32
        %get3A_147 = arith.index_cast %add3A_146 : i32 to index
        %get3A_148 = arith.constant 48 : index
        %get3A_149 = tpu.vector_load %arg7[%get3A_147, %get3A_148] {strides = array<i32>} : memref<128x128xf32, #tpu.memory_space<vmem>>, vector<1x16xf32>,
        %get3A_150 = vector.shape_cast %get3A_149 : vector<1x16xf32> to vector<16xf32>
        %mul3A_151 = arith.constant 4 : i32
        %mul3A_152 = arith.muli %scan3A_87, %mul3A_151 : i32
        %add3A_153 = arith.constant 2 : i32
        %add3A_154 = arith.addi %mul3A_152, %add3A_153 : i32
        %get3A_155 = arith.index_cast %add3A_154 : i32 to index
        %get3A_156 = arith.constant 0 : index
        %get3A_157 = tpu.vector_load %arg7[%get3A_155, %get3A_156] {strides = array<i32>} : memref<128x128xf32, #tpu.memory_space<vmem>>, vector<1x16xf32>,
        %get3A_158 = vector.shape_cast %get3A_157 : vector<1x16xf32> to vector<16xf32>
        %mul3A_159 = arith.constant 4 : i32
        %mul3A_160 = arith.muli %scan3A_87, %mul3A_159 : i32
        %add3A_161 = arith.constant 2 : i32
        %add3A_162 = arith.addi %mul3A_160, %add3A_161 : i32
        %get3A_163 = arith.index_cast %add3A_162 : i32 to index
        %get3A_164 = arith.constant 16 : index
        %get3A_165 = tpu.vector_load %arg7[%get3A_163, %get3A_164] {strides = array<i32>} : memref<128x128xf32, #tpu.memory_space<vmem>>, vector<1x16xf32>,
        %get3A_166 = vector.shape_cast %get3A_165 : vector<1x16xf32> to vector<16xf32>
        %mul3A_167 = arith.constant 4 : i32
        %mul3A_168 = arith.muli %scan3A_87, %mul3A_167 : i32
        %add3A_169 = arith.constant 2 : i32
        %add3A_170 = arith.addi %mul3A_168, %add3A_169 : i32
        %get3A_171 = arith.index_cast %add3A_170 : i32 to index
        %get3A_172 = arith.constant 32 : index
        %get3A_173 = tpu.vector_load %arg7[%get3A_171, %get3A_172] {strides = array<i32>} : memref<128x128xf32, #tpu.memory_space<vmem>>, vector<1x16xf32>,
        %get3A_174 = vector.shape_cast %get3A_173 : vector<1x16xf32> to vector<16xf32>
        %mul3A_175 = arith.constant 4 : i32
        %mul3A_176 = arith.muli %scan3A_87, %mul3A_175 : i32
        %add3A_177 = arith.constant 2 : i32
        %add3A_178 = arith.addi %mul3A_176, %add3A_177 : i32
        %get3A_179 = arith.index_cast %add3A_178 : i32 to index
        %get3A_180 = arith.constant 48 : index
        %get3A_181 = tpu.vector_load %arg7[%get3A_179, %get3A_180] {strides = array<i32>} : memref<128x128xf32, #tpu.memory_space<vmem>>, vector<1x16xf32>,
        %get3A_182 = vector.shape_cast %get3A_181 : vector<1x16xf32> to vector<16xf32>
        %mul3A_183 = arith.constant 4 : i32
        %mul3A_184 = arith.muli %scan3A_87, %mul3A_183 : i32
        %add3A_185 = arith.constant 3 : i32
        %add3A_186 = arith.addi %mul3A_184, %add3A_185 : i32
        %get3A_187 = arith.index_cast %add3A_186 : i32 to index
        %get3A_188 = arith.constant 0 : index
        %get3A_189 = tpu.vector_load %arg7[%get3A_187, %get3A_188] {strides = array<i32>} : memref<128x128xf32, #tpu.memory_space<vmem>>, vector<1x16xf32>,
        %get3A_190 = vector.shape_cast %get3A_189 : vector<1x16xf32> to vector<16xf32>
        %mul3A_191 = arith.constant 4 : i32
        %mul3A_192 = arith.muli %scan3A_87, %mul3A_191 : i32
        %add3A_193 = arith.constant 3 : i32
        %add3A_194 = arith.addi %mul3A_192, %add3A_193 : i32
        %get3A_195 = arith.index_cast %add3A_194 : i32 to index
        %get3A_196 = arith.constant 16 : index
        %get3A_197 = tpu.vector_load %arg7[%get3A_195, %get3A_196] {strides = array<i32>} : memref<128x128xf32, #tpu.memory_space<vmem>>, vector<1x16xf32>,
        %get3A_198 = vector.shape_cast %get3A_197 : vector<1x16xf32> to vector<16xf32>
        %mul3A_199 = arith.constant 4 : i32
        %mul3A_200 = arith.muli %scan3A_87, %mul3A_199 : i32
        %add3A_201 = arith.constant 3 : i32
        %add3A_202 = arith.addi %mul3A_200, %add3A_201 : i32
        %get3A_203 = arith.index_cast %add3A_202 : i32 to index
        %get3A_204 = arith.constant 32 : index
        %get3A_205 = tpu.vector_load %arg7[%get3A_203, %get3A_204] {strides = array<i32>} : memref<128x128xf32, #tpu.memory_space<vmem>>, vector<1x16xf32>,
        %get3A_206 = vector.shape_cast %get3A_205 : vector<1x16xf32> to vector<16xf32>
        %mul3A_207 = arith.constant 4 : i32
        %mul3A_208 = arith.muli %scan3A_87, %mul3A_207 : i32
        %add3A_209 = arith.constant 3 : i32
        %add3A_210 = arith.addi %mul3A_208, %add3A_209 : i32
        %get3A_211 = arith.index_cast %add3A_210 : i32 to index
        %get3A_212 = arith.constant 48 : index
        %get3A_213 = tpu.vector_load %arg7[%get3A_211, %get3A_212] {strides = array<i32>} : memref<128x128xf32, #tpu.memory_space<vmem>>, vector<1x16xf32>,
        %get3A_214 = vector.shape_cast %get3A_213 : vector<1x16xf32> to vector<16xf32>
        %mul3A_215 = arith.constant 8.000000e+00 : f32
        %mul3A_216 = vector.broadcast %mul3A_215 : f32 to vector<16xf32>
        %mul3A_217 = arith.mulf %get3A_94, %mul3A_216 : vector<16xf32>
        %mul3A_218 = arith.constant 8.000000e+00 : f32
        %mul3A_219 = vector.broadcast %mul3A_218 : f32 to vector<16xf32>
        %mul3A_220 = arith.mulf %get3A_102, %mul3A_219 : vector<16xf32>
        %mul3A_221 = arith.constant 8.000000e+00 : f32
        %mul3A_222 = vector.broadcast %mul3A_221 : f32 to vector<16xf32>
        %mul3A_223 = arith.mulf %get3A_110, %mul3A_222 : vector<16xf32>
        %mul3A_224 = arith.constant 8.000000e+00 : f32
        %mul3A_225 = vector.broadcast %mul3A_224 : f32 to vector<16xf32>
        %mul3A_226 = arith.mulf %get3A_118, %mul3A_225 : vector<16xf32>
        %mul3A_227 = arith.constant 8.000000e+00 : f32
        %mul3A_228 = vector.broadcast %mul3A_227 : f32 to vector<16xf32>
        %mul3A_229 = arith.mulf %get3A_126, %mul3A_228 : vector<16xf32>
        %mul3A_230 = arith.constant 8.000000e+00 : f32
        %mul3A_231 = vector.broadcast %mul3A_230 : f32 to vector<16xf32>
        %mul3A_232 = arith.mulf %get3A_134, %mul3A_231 : vector<16xf32>
        %mul3A_233 = arith.constant 8.000000e+00 : f32
        %mul3A_234 = vector.broadcast %mul3A_233 : f32 to vector<16xf32>
        %mul3A_235 = arith.mulf %get3A_142, %mul3A_234 : vector<16xf32>
        %mul3A_236 = arith.constant 8.000000e+00 : f32
        %mul3A_237 = vector.broadcast %mul3A_236 : f32 to vector<16xf32>
        %mul3A_238 = arith.mulf %get3A_150, %mul3A_237 : vector<16xf32>
        %mul3A_239 = arith.constant 8.000000e+00 : f32
        %mul3A_240 = vector.broadcast %mul3A_239 : f32 to vector<16xf32>
        %mul3A_241 = arith.mulf %get3A_158, %mul3A_240 : vector<16xf32>
        %mul3A_242 = arith.constant 8.000000e+00 : f32
        %mul3A_243 = vector.broadcast %mul3A_242 : f32 to vector<16xf32>
        %mul3A_244 = arith.mulf %get3A_166, %mul3A_243 : vector<16xf32>
        %mul3A_245 = arith.constant 8.000000e+00 : f32
        %mul3A_246 = vector.broadcast %mul3A_245 : f32 to vector<16xf32>
        %mul3A_247 = arith.mulf %get3A_174, %mul3A_246 : vector<16xf32>
        %mul3A_248 = arith.constant 8.000000e+00 : f32
        %mul3A_249 = vector.broadcast %mul3A_248 : f32 to vector<16xf32>
        %mul3A_250 = arith.mulf %get3A_182, %mul3A_249 : vector<16xf32>
        %mul3A_251 = arith.constant 8.000000e+00 : f32
        %mul3A_252 = vector.broadcast %mul3A_251 : f32 to vector<16xf32>
        %mul3A_253 = arith.mulf %get3A_190, %mul3A_252 : vector<16xf32>
        %mul3A_254 = arith.constant 8.000000e+00 : f32
        %mul3A_255 = vector.broadcast %mul3A_254 : f32 to vector<16xf32>
        %mul3A_256 = arith.mulf %get3A_198, %mul3A_255 : vector<16xf32>
        %mul3A_257 = arith.constant 8.000000e+00 : f32
        %mul3A_258 = vector.broadcast %mul3A_257 : f32 to vector<16xf32>
        %mul3A_259 = arith.mulf %get3A_206, %mul3A_258 : vector<16xf32>
        %mul3A_260 = arith.constant 8.000000e+00 : f32
        %mul3A_261 = vector.broadcast %mul3A_260 : f32 to vector<16xf32>
        %mul3A_262 = arith.mulf %get3A_214, %mul3A_261 : vector<16xf32>
        %mul3A_263 = arith.constant 4 : i32
        %mul3A_264 = arith.muli %scan3A_87, %mul3A_263 : i32
        %add3A_265 = arith.constant 0 : i32
        %add3A_266 = arith.addi %mul3A_264, %add3A_265 : i32
        %swap3A = arith.index_cast %add3A_266 : i32 to index
        %swap3A_267 = arith.constant 0 : index
        %swap3A_268 = tpu.vector_load %arg9[%swap3A, %swap3A_267] {strides = array<i32>} : memref<128x64xf32, #tpu.memory_space<vmem>>, vector<1x16xf32>,
        %swap3A_269 = vector.shape_cast %swap3A_268 : vector<1x16xf32> to vector<16xf32>
        %swap3A_270 = vector.shape_cast %mul3A_217 : vector<16xf32> to vector<1x16xf32>
        tpu.vector_store %arg9[%swap3A, %swap3A_267], %swap3A_270 {strides = array<i32>} : memref<128x64xf32, #tpu.memory_space<vmem>>, vector<1x16xf32>,
        %mul3A_271 = arith.constant 4 : i32
        %mul3A_272 = arith.muli %scan3A_87, %mul3A_271 : i32
        %add3A_273 = arith.constant 0 : i32
        %add3A_274 = arith.addi %mul3A_272, %add3A_273 : i32
        %swap3A_275 = arith.index_cast %add3A_274 : i32 to index
        %swap3A_276 = arith.constant 16 : index
        %swap3A_277 = tpu.vector_load %arg9[%swap3A_275, %swap3A_276] {strides = array<i32>} : memref<128x64xf32, #tpu.memory_space<vmem>>, vector<1x16xf32>,
        %swap3A_278 = vector.shape_cast %swap3A_277 : vector<1x16xf32> to vector<16xf32>
        %swap3A_279 = vector.shape_cast %mul3A_220 : vector<16xf32> to vector<1x16xf32>
        tpu.vector_store %arg9[%swap3A_275, %swap3A_276], %swap3A_279 {strides = array<i32>} : memref<128x64xf32, #tpu.memory_space<vmem>>, vector<1x16xf32>,
        %mul3A_280 = arith.constant 4 : i32
        %mul3A_281 = arith.muli %scan3A_87, %mul3A_280 : i32
        %add3A_282 = arith.constant 0 : i32
        %add3A_283 = arith.addi %mul3A_281, %add3A_282 : i32
        %swap3A_284 = arith.index_cast %add3A_283 : i32 to index
        %swap3A_285 = arith.constant 32 : index
        %swap3A_286 = tpu.vector_load %arg9[%swap3A_284, %swap3A_285] {strides = array<i32>} : memref<128x64xf32, #tpu.memory_space<vmem>>, vector<1x16xf32>,
        %swap3A_287 = vector.shape_cast %swap3A_286 : vector<1x16xf32> to vector<16xf32>
        %swap3A_288 = vector.shape_cast %mul3A_223 : vector<16xf32> to vector<1x16xf32>
        tpu.vector_store %arg9[%swap3A_284, %swap3A_285], %swap3A_288 {strides = array<i32>} : memref<128x64xf32, #tpu.memory_space<vmem>>, vector<1x16xf32>,
        %mul3A_289 = arith.constant 4 : i32
        %mul3A_290 = arith.muli %scan3A_87, %mul3A_289 : i32
        %add3A_291 = arith.constant 0 : i32
        %add3A_292 = arith.addi %mul3A_290, %add3A_291 : i32
        %swap3A_293 = arith.index_cast %add3A_292 : i32 to index
        %swap3A_294 = arith.constant 48 : index
        %swap3A_295 = tpu.vector_load %arg9[%swap3A_293, %swap3A_294] {strides = array<i32>} : memref<128x64xf32, #tpu.memory_space<vmem>>, vector<1x16xf32>,
        %swap3A_296 = vector.shape_cast %swap3A_295 : vector<1x16xf32> to vector<16xf32>
        %swap3A_297 = vector.shape_cast %mul3A_226 : vector<16xf32> to vector<1x16xf32>
        tpu.vector_store %arg9[%swap3A_293, %swap3A_294], %swap3A_297 {strides = array<i32>} : memref<128x64xf32, #tpu.memory_space<vmem>>, vector<1x16xf32>,
        %mul3A_298 = arith.constant 4 : i32
        %mul3A_299 = arith.muli %scan3A_87, %mul3A_298 : i32
        %add3A_300 = arith.constant 1 : i32
        %add3A_301 = arith.addi %mul3A_299, %add3A_300 : i32
        %swap3A_302 = arith.index_cast %add3A_301 : i32 to index
        %swap3A_303 = arith.constant 0 : index
        %swap3A_304 = tpu.vector_load %arg9[%swap3A_302, %swap3A_303] {strides = array<i32>} : memref<128x64xf32, #tpu.memory_space<vmem>>, vector<1x16xf32>,
        %swap3A_305 = vector.shape_cast %swap3A_304 : vector<1x16xf32> to vector<16xf32>
        %swap3A_306 = vector.shape_cast %mul3A_229 : vector<16xf32> to vector<1x16xf32>
        tpu.vector_store %arg9[%swap3A_302, %swap3A_303], %swap3A_306 {strides = array<i32>} : memref<128x64xf32, #tpu.memory_space<vmem>>, vector<1x16xf32>,
        %mul3A_307 = arith.constant 4 : i32
        %mul3A_308 = arith.muli %scan3A_87, %mul3A_307 : i32
        %add3A_309 = arith.constant 1 : i32
        %add3A_310 = arith.addi %mul3A_308, %add3A_309 : i32
        %swap3A_311 = arith.index_cast %add3A_310 : i32 to index
        %swap3A_312 = arith.constant 16 : index
        %swap3A_313 = tpu.vector_load %arg9[%swap3A_311, %swap3A_312] {strides = array<i32>} : memref<128x64xf32, #tpu.memory_space<vmem>>, vector<1x16xf32>,
        %swap3A_314 = vector.shape_cast %swap3A_313 : vector<1x16xf32> to vector<16xf32>
        %swap3A_315 = vector.shape_cast %mul3A_232 : vector<16xf32> to vector<1x16xf32>
        tpu.vector_store %arg9[%swap3A_311, %swap3A_312], %swap3A_315 {strides = array<i32>} : memref<128x64xf32, #tpu.memory_space<vmem>>, vector<1x16xf32>,
        %mul3A_316 = arith.constant 4 : i32
        %mul3A_317 = arith.muli %scan3A_87, %mul3A_316 : i32
        %add3A_318 = arith.constant 1 : i32
        %add3A_319 = arith.addi %mul3A_317, %add3A_318 : i32
        %swap3A_320 = arith.index_cast %add3A_319 : i32 to index
        %swap3A_321 = arith.constant 32 : index
        %swap3A_322 = tpu.vector_load %arg9[%swap3A_320, %swap3A_321] {strides = array<i32>} : memref<128x64xf32, #tpu.memory_space<vmem>>, vector<1x16xf32>,
        %swap3A_323 = vector.shape_cast %swap3A_322 : vector<1x16xf32> to vector<16xf32>
        %swap3A_324 = vector.shape_cast %mul3A_235 : vector<16xf32> to vector<1x16xf32>
        tpu.vector_store %arg9[%swap3A_320, %swap3A_321], %swap3A_324 {strides = array<i32>} : memref<128x64xf32, #tpu.memory_space<vmem>>, vector<1x16xf32>,
        %mul3A_325 = arith.constant 4 : i32
        %mul3A_326 = arith.muli %scan3A_87, %mul3A_325 : i32
        %add3A_327 = arith.constant 1 : i32
        %add3A_328 = arith.addi %mul3A_326, %add3A_327 : i32
        %swap3A_329 = arith.index_cast %add3A_328 : i32 to index
        %swap3A_330 = arith.constant 48 : index
        %swap3A_331 = tpu.vector_load %arg9[%swap3A_329, %swap3A_330] {strides = array<i32>} : memref<128x64xf32, #tpu.memory_space<vmem>>, vector<1x16xf32>,
        %swap3A_332 = vector.shape_cast %swap3A_331 : vector<1x16xf32> to vector<16xf32>
        %swap3A_333 = vector.shape_cast %mul3A_238 : vector<16xf32> to vector<1x16xf32>
        tpu.vector_store %arg9[%swap3A_329, %swap3A_330], %swap3A_333 {strides = array<i32>} : memref<128x64xf32, #tpu.memory_space<vmem>>, vector<1x16xf32>,
        %mul3A_334 = arith.constant 4 : i32
        %mul3A_335 = arith.muli %scan3A_87, %mul3A_334 : i32
        %add3A_336 = arith.constant 2 : i32
        %add3A_337 = arith.addi %mul3A_335, %add3A_336 : i32
        %swap3A_338 = arith.index_cast %add3A_337 : i32 to index
        %swap3A_339 = arith.constant 0 : index
        %swap3A_340 = tpu.vector_load %arg9[%swap3A_338, %swap3A_339] {strides = array<i32>} : memref<128x64xf32, #tpu.memory_space<vmem>>, vector<1x16xf32>,
        %swap3A_341 = vector.shape_cast %swap3A_340 : vector<1x16xf32> to vector<16xf32>
        %swap3A_342 = vector.shape_cast %mul3A_241 : vector<16xf32> to vector<1x16xf32>
        tpu.vector_store %arg9[%swap3A_338, %swap3A_339], %swap3A_342 {strides = array<i32>} : memref<128x64xf32, #tpu.memory_space<vmem>>, vector<1x16xf32>,
        %mul3A_343 = arith.constant 4 : i32
        %mul3A_344 = arith.muli %scan3A_87, %mul3A_343 : i32
        %add3A_345 = arith.constant 2 : i32
        %add3A_346 = arith.addi %mul3A_344, %add3A_345 : i32
        %swap3A_347 = arith.index_cast %add3A_346 : i32 to index
        %swap3A_348 = arith.constant 16 : index
        %swap3A_349 = tpu.vector_load %arg9[%swap3A_347, %swap3A_348] {strides = array<i32>} : memref<128x64xf32, #tpu.memory_space<vmem>>, vector<1x16xf32>,
        %swap3A_350 = vector.shape_cast %swap3A_349 : vector<1x16xf32> to vector<16xf32>
        %swap3A_351 = vector.shape_cast %mul3A_244 : vector<16xf32> to vector<1x16xf32>
        tpu.vector_store %arg9[%swap3A_347, %swap3A_348], %swap3A_351 {strides = array<i32>} : memref<128x64xf32, #tpu.memory_space<vmem>>, vector<1x16xf32>,
        %mul3A_352 = arith.constant 4 : i32
        %mul3A_353 = arith.muli %scan3A_87, %mul3A_352 : i32
        %add3A_354 = arith.constant 2 : i32
        %add3A_355 = arith.addi %mul3A_353, %add3A_354 : i32
        %swap3A_356 = arith.index_cast %add3A_355 : i32 to index
        %swap3A_357 = arith.constant 32 : index
        %swap3A_358 = tpu.vector_load %arg9[%swap3A_356, %swap3A_357] {strides = array<i32>} : memref<128x64xf32, #tpu.memory_space<vmem>>, vector<1x16xf32>,
        %swap3A_359 = vector.shape_cast %swap3A_358 : vector<1x16xf32> to vector<16xf32>
        %swap3A_360 = vector.shape_cast %mul3A_247 : vector<16xf32> to vector<1x16xf32>
        tpu.vector_store %arg9[%swap3A_356, %swap3A_357], %swap3A_360 {strides = array<i32>} : memref<128x64xf32, #tpu.memory_space<vmem>>, vector<1x16xf32>,
        %mul3A_361 = arith.constant 4 : i32
        %mul3A_362 = arith.muli %scan3A_87, %mul3A_361 : i32
        %add3A_363 = arith.constant 2 : i32
        %add3A_364 = arith.addi %mul3A_362, %add3A_363 : i32
        %swap3A_365 = arith.index_cast %add3A_364 : i32 to index
        %swap3A_366 = arith.constant 48 : index
        %swap3A_367 = tpu.vector_load %arg9[%swap3A_365, %swap3A_366] {strides = array<i32>} : memref<128x64xf32, #tpu.memory_space<vmem>>, vector<1x16xf32>,
        %swap3A_368 = vector.shape_cast %swap3A_367 : vector<1x16xf32> to vector<16xf32>
        %swap3A_369 = vector.shape_cast %mul3A_250 : vector<16xf32> to vector<1x16xf32>
        tpu.vector_store %arg9[%swap3A_365, %swap3A_366], %swap3A_369 {strides = array<i32>} : memref<128x64xf32, #tpu.memory_space<vmem>>, vector<1x16xf32>,
        %mul3A_370 = arith.constant 4 : i32
        %mul3A_371 = arith.muli %scan3A_87, %mul3A_370 : i32
        %add3A_372 = arith.constant 3 : i32
        %add3A_373 = arith.addi %mul3A_371, %add3A_372 : i32
        %swap3A_374 = arith.index_cast %add3A_373 : i32 to index
        %swap3A_375 = arith.constant 0 : index
        %swap3A_376 = tpu.vector_load %arg9[%swap3A_374, %swap3A_375] {strides = array<i32>} : memref<128x64xf32, #tpu.memory_space<vmem>>, vector<1x16xf32>,
        %swap3A_377 = vector.shape_cast %swap3A_376 : vector<1x16xf32> to vector<16xf32>
        %swap3A_378 = vector.shape_cast %mul3A_253 : vector<16xf32> to vector<1x16xf32>
        tpu.vector_store %arg9[%swap3A_374, %swap3A_375], %swap3A_378 {strides = array<i32>} : memref<128x64xf32, #tpu.memory_space<vmem>>, vector<1x16xf32>,
        %mul3A_379 = arith.constant 4 : i32
        %mul3A_380 = arith.muli %scan3A_87, %mul3A_379 : i32
        %add3A_381 = arith.constant 3 : i32
        %add3A_382 = arith.addi %mul3A_380, %add3A_381 : i32
        %swap3A_383 = arith.index_cast %add3A_382 : i32 to index
        %swap3A_384 = arith.constant 16 : index
        %swap3A_385 = tpu.vector_load %arg9[%swap3A_383, %swap3A_384] {strides = array<i32>} : memref<128x64xf32, #tpu.memory_space<vmem>>, vector<1x16xf32>,
        %swap3A_386 = vector.shape_cast %swap3A_385 : vector<1x16xf32> to vector<16xf32>
        %swap3A_387 = vector.shape_cast %mul3A_256 : vector<16xf32> to vector<1x16xf32>
        tpu.vector_store %arg9[%swap3A_383, %swap3A_384], %swap3A_387 {strides = array<i32>} : memref<128x64xf32, #tpu.memory_space<vmem>>, vector<1x16xf32>,
        %mul3A_388 = arith.constant 4 : i32
        %mul3A_389 = arith.muli %scan3A_87, %mul3A_388 : i32
        %add3A_390 = arith.constant 3 : i32
        %add3A_391 = arith.addi %mul3A_389, %add3A_390 : i32
        %swap3A_392 = arith.index_cast %add3A_391 : i32 to index
        %swap3A_393 = arith.constant 32 : index
        %swap3A_394 = tpu.vector_load %arg9[%swap3A_392, %swap3A_393] {strides = array<i32>} : memref<128x64xf32, #tpu.memory_space<vmem>>, vector<1x16xf32>,
        %swap3A_395 = vector.shape_cast %swap3A_394 : vector<1x16xf32> to vector<16xf32>
        %swap3A_396 = vector.shape_cast %mul3A_259 : vector<16xf32> to vector<1x16xf32>
        tpu.vector_store %arg9[%swap3A_392, %swap3A_393], %swap3A_396 {strides = array<i32>} : memref<128x64xf32, #tpu.memory_space<vmem>>, vector<1x16xf32>,
        %mul3A_397 = arith.constant 4 : i32
        %mul3A_398 = arith.muli %scan3A_87, %mul3A_397 : i32
        %add3A_399 = arith.constant 3 : i32
        %add3A_400 = arith.addi %mul3A_398, %add3A_399 : i32
        %swap3A_401 = arith.index_cast %add3A_400 : i32 to index
        %swap3A_402 = arith.constant 48 : index
        %swap3A_403 = tpu.vector_load %arg9[%swap3A_401, %swap3A_402] {strides = array<i32>} : memref<128x64xf32, #tpu.memory_space<vmem>>, vector<1x16xf32>,
        %swap3A_404 = vector.shape_cast %swap3A_403 : vector<1x16xf32> to vector<16xf32>
        %swap3A_405 = vector.shape_cast %mul3A_262 : vector<16xf32> to vector<1x16xf32>
        tpu.vector_store %arg9[%swap3A_401, %swap3A_402], %swap3A_405 {strides = array<i32>} : memref<128x64xf32, #tpu.memory_space<vmem>>, vector<1x16xf32>,
      }
      %scan3A_74 = arith.constant 32 : i32
      %lt3A_75 = arith.constant 99 : i32
      %lt3A_76 = arith.cmpi slt, %scan3A_24, %lt3A_75 : i32
      %convert_element_type3A_77 = arith.extui %lt3A_76 : i1 to i32
      %cond3A_78 = arith.constant 0 : i32
      %cond3A_79 = arith.cmpi ne, %convert_element_type3A_77, %cond3A_78 : i32
      scf.if %cond3A_79 {
        %add3A_87 = arith.constant 2 : i32
        %add3A_88 = arith.addi %add3A_57, %add3A_87 : i32
        %mul3A_89 = arith.constant 128 : i32
        %mul3A_90 = arith.muli %add3A_88, %mul3A_89 : i32
        %dma_start3A_91 = tpu.memref_slice %arg5[%mul3A_90] : memref<25600xi32, #tpu.memory_space<vmem>> -> memref<128xi32, #tpu.memory_space<vmem>>
        %dma_start3A_92 = arith.constant 0 : i32
        %dma_start3A_93 = arith.constant 0 : i32
        %dma_start3A_94 = tpu.memref_slice %arg3[%dma_start3A_92, %dma_start3A_93] : memref<1000000x128xf32, #tpu.memory_space<hbm>> -> memref<1000000x128xf32, #tpu.memory_space<hbm>>
        tpu.enqueue_indirect_dma source(%dma_start3A_94 : memref<1000000x128xf32, #tpu.memory_space<hbm>>) target(%arg7 : memref<128x128xf32, #tpu.memory_space<vmem>>) offsets(%dma_start3A_91 : memref<128xi32, #tpu.memory_space<vmem>>) semaphore(%arg11 : memref<!tpu.dma_semaphore, #tpu.memory_space<semaphore_mem>>)
      } else {
      }
      %mul3A_80 = arith.constant 128 : i32
      %mul3A_81 = arith.muli %add3A_57, %mul3A_80 : i32
      %add3A_82 = arith.addi %mul3A_2, %mul3A_81 : i32
      %dma_start3A_83 = arith.constant 0 : i32
      %dma_start3A_84 = tpu.memref_slice %arg4[%add3A_82, %dma_start3A_83] : memref<819200x64xf32, #tpu.memory_space<hbm>> -> memref<128x64xf32, #tpu.memory_space<hbm>>
      %dma_start3A_85 = arith.constant 0 : i32
      %dma_start3A_86 = tpu.memref_slice %arg4[%add3A_82, %dma_start3A_85] : memref<819200x64xf32, #tpu.memory_space<hbm>> -> memref<128x64xf32, #tpu.memory_space<hbm>>
      tpu.enqueue_dma source(%arg9 : memref<128x64xf32, #tpu.memory_space<vmem>>) target(%dma_start3A_86 : memref<128x64xf32, #tpu.memory_space<hbm>>) target_semaphore(%arg13 : memref<!tpu.dma_semaphore, #tpu.memory_space<semaphore_mem>>)
    }
    %scan3A_16 = arith.constant 100 : i32
    %dma_wait3A = arith.constant 0 : i32
    %dma_wait3A_17 = tpu.memref_slice %arg4[%mul3A_2, %dma_wait3A] : memref<819200x64xf32, #tpu.memory_space<hbm>> -> memref<128x64xf32, #tpu.memory_space<hbm>>
    %dma_wait3A_18 = arith.constant 0 : i32
    %dma_wait3A_19 = tpu.memref_slice %arg4[%mul3A_2, %dma_wait3A_18] : memref<819200x64xf32, #tpu.memory_space<hbm>> -> memref<128x64xf32, #tpu.memory_space<hbm>>
    tpu.wait_dma2 semaphore(%arg12 : memref<!tpu.dma_semaphore, #tpu.memory_space<semaphore_mem>>) src(%arg8 : memref<128x64xf32, #tpu.memory_space<vmem>>) dst(%dma_wait3A_19 : memref<128x64xf32, #tpu.memory_space<hbm>>)
    %dma_wait3A_20 = arith.constant 0 : i32
    %dma_wait3A_21 = tpu.memref_slice %arg4[%mul3A_2, %dma_wait3A_20] : memref<819200x64xf32, #tpu.memory_space<hbm>> -> memref<128x64xf32, #tpu.memory_space<hbm>>
    %dma_wait3A_22 = arith.constant 0 : i32
    %dma_wait3A_23 = tpu.memref_slice %arg4[%mul3A_2, %dma_wait3A_22] : memref<819200x64xf32, #tpu.memory_space<hbm>> -> memref<128x64xf32, #tpu.memory_space<hbm>>
    tpu.wait_dma2 semaphore(%arg13 : memref<!tpu.dma_semaphore, #tpu.memory_space<semaphore_mem>>) src(%arg9 : memref<128x64xf32, #tpu.memory_space<vmem>>) dst(%dma_wait3A_23 : memref<128x64xf32, #tpu.memory_space<hbm>>)
    return
  }
}

</mosaic_0001>

<sc_bundles>
// kernel: kernel.3.cloned.1.call-start
scs
__scs_entry_jumppad:
0x0: {  	(pc) =	sbr.rel $0x88, $3  }
0x1: {  	(tag) =	ssettag $0x0;
	lr =	simm.s32 $0x1  }
0x2: {  	[smem:$0x3F9F] =	sst lr;
	_ =	strace $0xD0000000  }
0x3: {  	_ = 	snop  }
0x4: {  	_ = 	snop  }
0x5: {  	_ = 	snop  }
0x6: {  	_ = 	snop  }
0x7: {  	_ = 	snop  }
__scs_overlays_trampoline_lowered:
0x8: {  	[smem:$0x3FAE] =	sst s0  }
0x9: {  	[smem:$0x3FAF] =	sst s1  }
0xa: {  	[smem:$0x3FB0] =	sst s2  }
0xb: {  	[smem:$0x3FB1] =	sst s3  }
0xc: {  	[smem:$0x3FB2] =	sst s4  }
0xd: {  	[smem:$0x3FB3] =	sst s5  }
0xe: {  	[smem:$0x3FB4] =	sst s6  }
0xf: {  	[smem:$0x3FB5] =	sst s7  }
0x10: {  	[smem:$0x3FB6] =	sst s8  }
0x11: {  	[smem:$0x3FB7] =	sst s9;
	s0 =	simm.s32 @!p0 $0x0  }
0x12: {  	s1 =	sld [smem:$0x3F9D];
	s0 =	simm.s32 @p0 $0x1  }
0x13: {  	[smem:$0x3FB8] =	sst s0;
	s0 =	simm.s32 @!p1 $0x0  }
0x14: {  	s2 =	sld [smem:$0x3F9C];
	s0 =	simm.s32 @p1 $0x1  }
0x15: {  	[smem:$0x3FB9] =	sst s0;
	s0 =	simm.s32 @!p2 $0x0  }
0x16: {  	s3 =	sld [smem:$0x3FDB];
	s0 =	simm.s32 @p2 $0x1  }
0x17: {  	s4 =	simm.s32 $0x1BF5;
	[smem:$0x3FBB] =	sst s0  }
0x18: {  	s0 =	sld [smem:$0x3F9E];
	_ =	swait.ge [sflag:s4], $0x0  }
0x19: {  	s7 =	sld [smem:$0x3F9F]  }
0x1a: {  	s8 =	sadd.s32 $0xFFFFE003, lr  }
0x1b: {  	s9 =	sadd.s32 $0xFFFFFEF7, lr;
	s5 =	simm.s32 $0xFFFFFFFF;
	p2 =	slt.u32 s8, $0xFFFFF086  }
0x1c: {  	p1 =	slt.u32 s9, $0xF7A;
	s5 =	simm.s32 @!p2 $0x0  }
0x1d: {  	s5 =	simm.s32 @p1 $0x1;
	p0 =	seq.s32 s7, s2  }
0x1e: {  	s7 =	smul.u32 @!p0 $0xF7A, s2;
	p2 =	seq.s32 @!p0 s5, $0x0  }
0x1f: {  	s9 =	smul.u32 $0xF7A, s1;
	s8 =	simm.s32 @!p0 $0x1BF5;
	p2 =	por !p2, p0  }
0x20: {  	[sflag:s8] =	ssyncset.s32 @!p0 $0xFFFFF086;
	s6 =	sadd.s32 @!p0 s3, s7;
	s7 =	simm.s32 @!p0 $0x108  }
0x21: {  	s3 =	sadd.s32 s3, s9;
	s6 =	sadd.s32 @!p0 $0x88, s6;
	s7 =	simm.s32 @p2 $0x1082  }
0x22: {  	[simem:s7], [sflag:s8] =	dma.local @!p0 [hbm:s6], $0xF7A  }
0x23: {  	s9 =	sor.u32 $0xD0000000, s2;
	s6 =	simm.s32 $0x108;
	_ =	swait.ge @!p0 [sflag:s8], $0x0  }
0x24: {  	s3 =	sadd.s32 $0x88, s3;
	s6 =	simm.s32 @!p1 $0x1082;
	[sflag:s4] =	ssyncset.s32 $0xFFFFF086  }
0x25: {  	[simem:s6], [sflag:s4] =	dma.local [hbm:s3], $0xF7A  }
0x26: {  	[smem:$0x3F9F] =	sst s1;
	(tag) =	ssettag s2;
	_ =	strace s9  }
0x27: {  	s1 =	sld [smem:$0x3FAF]  }
0x28: {  	s2 =	sld [smem:$0x3FB0]  }
0x29: {  	s4 =	sld [smem:$0x3FB2]  }
0x2a: {  	p0 =	seq.s32 s5, $0x0;
	s5 =	sld [smem:$0x3FB3]  }
0x2b: {  	s6 =	sld [smem:$0x3FB4]  }
0x2c: {  	s7 =	sld [smem:$0x3FB5]  }
0x2d: {  	s3 =	simm.s32 $0x108;
	s8 =	sld [smem:$0x3FB6]  }
0x2e: {  	s3 =	simm.s32 @!p0 $0x1082;
	s9 =	sld [smem:$0x3FB7]  }
0x2f: {  	lr =	sadd.s32 s0, s3;
	s0 =	sld [smem:$0x3FAE]  }
0x30: {  	s3 =	sld [smem:$0x3FB1]  }
0x31: {  	[smem:$0x3FBA] =	sst s10  }
0x32: {  	s10 =	sld [smem:$0x3FB8];
	_ =	sdelay $0x3  }
0x33: {  	p0 =	seq.s32 s10, $0x1;
	s10 =	sld [smem:$0x3FBA];
	_ =	sdelay $0x3  }
0x34: {  	[smem:$0x3FBA] =	sst s10  }
0x35: {  	s10 =	sld [smem:$0x3FB9];
	_ =	sdelay $0x3  }
0x36: {  	p1 =	seq.s32 s10, $0x1;
	s10 =	sld [smem:$0x3FBA];
	_ =	sdelay $0x3  }
0x37: {  	[smem:$0x3FBA] =	sst s10  }
0x38: {  	s10 =	sld [smem:$0x3FBB]  }
0x39: {  	_ = 	snop;
	(pc) =	sbr.ind lr, $3  }
0x3a: {  	_ = 	snop  }
0x3b: {  	_ = 	snop  }
0x3c: {  	p2 =	seq.s32 s10, $0x1;
	s10 =	sld [smem:$0x3FBA]  }
0x3d: {  	_ =	shalt  }
0x3e: {  	_ =	shalt  }
0x3f: {  	_ =	shalt  }
0x40: {  	_ =	shalt  }
0x41: {  	_ =	shalt  }
0x42: {  	_ =	shalt  }
0x43: {  	_ =	shalt  }
0x44: {  	_ =	shalt  }
0x45: {  	_ =	shalt  }
0x46: {  	_ =	shalt  }
0x47: {  	_ =	shalt  }
0x48: {  	_ =	shalt  }
0x49: {  	_ =	shalt  }
0x4a: {  	_ =	shalt  }
0x4b: {  	_ =	shalt  }
0x4c: {  	_ =	shalt  }
0x4d: {  	_ =	shalt  }
0x4e: {  	_ =	shalt  }
0x4f: {  	_ =	shalt  }
0x50: {  	_ =	shalt  }
0x51: {  	_ =	shalt  }
0x52: {  	_ =	shalt  }
0x53: {  	_ =	shalt  }
0x54: {  	_ =	shalt  }
0x55: {  	_ =	shalt  }
0x56: {  	_ =	shalt  }
0x57: {  	_ =	shalt  }
0x58: {  	_ =	shalt  }
0x59: {  	_ =	shalt  }
0x5a: {  	_ =	shalt  }
0x5b: {  	_ =	shalt  }
0x5c: {  	_ =	shalt  }
0x5d: {  	_ =	shalt  }
0x5e: {  	_ =	shalt  }
0x5f: {  	_ =	shalt  }
0x60: {  	_ =	shalt  }
0x61: {  	_ =	shalt  }
0x62: {  	_ =	shalt  }
0x63: {  	_ =	shalt  }
0x64: {  	_ =	shalt  }
0x65: {  	_ =	shalt  }
0x66: {  	_ =	shalt  }
0x67: {  	_ =	shalt  }
0x68: {  	_ =	shalt  }
0x69: {  	_ =	shalt  }
0x6a: {  	_ =	shalt  }
0x6b: {  	_ =	shalt  }
0x6c: {  	_ =	shalt  }
0x6d: {  	_ =	shalt  }
0x6e: {  	_ =	shalt  }
0x6f: {  	_ =	shalt  }
0x70: {  	_ =	shalt  }
0x71: {  	_ =	shalt  }
0x72: {  	_ =	shalt  }
0x73: {  	_ =	shalt  }
0x74: {  	_ =	shalt  }
0x75: {  	_ =	shalt  }
0x76: {  	_ =	shalt  }
0x77: {  	_ =	shalt  }
0x78: {  	_ =	shalt  }
0x79: {  	_ =	shalt  }
0x7a: {  	_ =	shalt  }
0x7b: {  	_ =	shalt  }
0x7c: {  	_ =	shalt  }
0x7d: {  	_ =	shalt  }
0x7e: {  	_ =	shalt  }
0x7f: {  	_ =	shalt  }
0x80: {  	_ =	shalt  }
0x81: {  	_ =	shalt  }
0x82: {  	_ =	shalt  }
0x83: {  	_ =	shalt  }
0x84: {  	_ =	shalt  }
0x85: {  	_ =	shalt  }
0x86: {  	_ =	shalt  }
0x87: {  	_ =	shalt  }
.Lfunc_end0:
.L_simem_size_0:
called_computation.1_lowered:
.L_overlay_start_0:
0x88: {  	s2 =	sld [smem:$0x3FD9]  }
0x89: {  	s3 =	sld [smem:$0x3FFE];
	_ =	sdelay $0x1  }
0x8a: {  	s1 =	srdreg.scid  }
0x8b: {  	s0 =	sand.u32 $0x1, s1  }
0x8c: {  	s17 =	sshll.u32 s0, $0xA;
	s2 =	sadd.s32 s3, s2  }
0x8d: {  	s2 =	sadd.s32 s2, s17  }
0x8e: {  	[smem:$0x3FC6] =	sst s2  }
0x8f: {  	_ = 	snop  }
0x90: {  	s2 =	sld [smem:$0x3FD0];
	(tm) =	ssettm $0x1  }
0x91: {  	s18 =	sld [smem:$0x3FFB];
	_ =	sdelay $0x3  }
0x92: {  	_ =	strace s18  }
0x93: {  	s3 =	sld [smem:$0x3FFC];
	_ =	sdelay $0x3  }
0x94: {  	_ =	strace s3  }
0x95: {  	s3 =	sld [smem:$0x3FFD];
	_ =	sdelay $0x3  }
0x96: {  	_ =	strace s3  }
0x97: {  	_ =	strace $0x8FFFFFFF  }
0x98: {  	s19 =	sld [smem:$0x3FDB];
	_ =	sdelay $0x1  }
0x99: {  	s4 =	simm.s32 $_scs_section_size  }
0x9a: {  	s5 =	simm.s32 $_size__tile_overlayer_lowered;
	s6 =	simm.s32 $_tile_overlayer_lowered  }
0x9b: {  	s22 =	simm.s32 $0x1BFF;
	s21 =	sshll.u32 s6, $0x1;
	s3 =	sadd.s32 s4, s19  }
0x9c: {  	s7 =	simm.s32 $0x0;
	s20 =	sshll.u32 s5, $0x1;
	s5 =	sadd.s32 s21, s3  }
0x9d: {  	[timem:s7], [sflag:s22] =	dma.local [hbm:s5], s20  }
0x9e: {  	_ =	swait.ge [sflag:s22], s20  }
0x9f: {  	s4 =	ssub.s32 $0x0, s20;
	[sflag:s22] =	ssyncset.done $0x0  }
0xa0: {  	[sflag:s22] =	ssyncadd.s32 s4;
	_ =	sdelay $0x1  }
0xa1: {  	s23 =	simm.s32 $0x1B8B  }
0xa2: {  	_ =	swait.ge [sflag:s23], $0x1  }
0xa3: {  	[sflag:s23] =	ssyncset.done $0x0  }
0xa4: {  	s25 =	simm.s32 $0x1B8E;
	s24 =	sld [smem:$0x3FFE];
	[sflag:s23] =	ssyncadd.s32 $0xFFFFFFFF  }
0xa5: {  	s26 =	simm.s32 $execute0_lowered;
	[smem:$0x3FD2] =	sst s25  }
0xa6: {  	s5 =	sshll.u32 s26, $0x1;
	_ =	strace $0x80000046;
	[dreg:$0x1] =	wrdreg $0xFFFFFFFF  }
0xa7: {  	s28 =	simm.s32 $_size_execute0_lowered;
	s3 =	sadd.s32 s3, s5;
	[dreg:$0x0] =	wrdreg $0x0  }
0xa8: {  	s5 =	sshll.u32 s28, $0x1;
	[dreg:$0x2] =	wrdreg s3  }
0xa9: {  	[dreg:$0x3] =	wrdreg s5  }
0xaa: {  	[dreg:$0x4] =	wrdreg $0xC0  }
0xab: {  	_ =	task [dreg:s7], $0x5FFFF  }
0xac: {  	[dreg:$0x1] =	wrdreg $0xFFFFFFFF  }
0xad: {  	[dreg:$0x0] =	wrdreg $0x60  }
0xae: {  	[dreg:$0x2] =	wrdreg s2  }
0xaf: {  	[dreg:$0x3] =	wrdreg s24  }
0xb0: {  	[dreg:$0x4] =	wrdreg $0x9  }
0xb1: {  	_ =	task.clear_ibuf [dreg:s7], $0x5FFFF;
	_ =	strace $0x90000046  }
0xb2: {  	s29 =	simm.s32 $0x9;
	_ =	strace $0x80000048  }
0xb3: {  	_ =	swait.ge [sflag:s29], $0x1  }
0xb4: {  	[sflag:s29] =	ssyncadd.s32 $0xFFFFFFFF  }
0xb5: {  	_ =	strace $0x90000048  }
0xb6: {  	_ =	sfence  }
0xb7: {  	s30 =	sld [smem:$0x0];
	_ =	sdelay $0x2  }
0xb8: {  	s31 =	sshll.u32 s1, $0xD;
	s1 =	sshrl.u32 s1, $0x2  }
0xb9: {  	s3 =	sand.u32 $0x4000, s31;
	s1 =	sadd.s32 s1, s30  }
0xba: {  	s0 =	sor.u32 s3, s0;
	s1 =	sshll.u32 s1, $0x11  }
0xbb: {  	s0 =	sor.u32 s1, s0  }
0xbc: {  	s0 =	sadd.s32 $0x8F2B, s0  }
0xbd: {  	[sflag:s0] =	ssyncadd.remote.s32 $0x1  }
0xbe: {  	_ =	sfence.sel $0xFFFF  }
0xbf: {  	[dreg:$0x0] =	wrdreg $0xFFFFFFFF;
	(pc) =	sbr.abs _section_cstart, $3  }
0xc0: {  	[dreg:$0x1] =	wrdreg $0xFFFFFFFF  }
0xc1: {  	_ =	task.clear_ibuf [dreg:s7], $0x2FFFF;
	_ =	strace $0x9FFFFFFF  }
0xc2: {  	(tm) =	ssettm $0x7FFFFFFF  }
0xc3: {  	_ =	shalt  }
tec
execute0_lowered:
.L_overlay_start_1:
0x0: {  	(tag) =	ssettag $0x1  }
0x1: {  	s5 =	rddreg [dreg:$0x0]  }
0x2: {  	s4 =	rddreg [dreg:$0x1]  }
0x3: {  	s0 =	rddreg [dreg:$0x2];
	s3 =	srdreg.scid  }
0x4: {  	s1 =	stileid.u32;
	s2 =	simm.s32 $0x0;
	s11 =	simm.s32 $0x6400  }
0x5: {  	s12 =	simm.s32 $0xA400;
	s13 =	simm.s32 $0x1;
	s14 =	simm.s32 $0xE400  }
0x6: {  	s15 =	simm.s32 $0x2;
	s16 =	simm.s32 $0x12400;
	s17 =	simm.s32 $0x3  }
0x7: {  	s18 =	simm.s32 $0x4;
	s3 =	sand.u32 $0x1, s3;
	s6 =	sshll.u32 s1, $0x1  }
0x8: {  	s19 =	simm.s32 $0x0;
	[smem:$0x7FF] =	sst s2;
	s6 =	sor.u32 s3, s6  }
0x9: {  	_ =	strace $0x80000047;
	s7 =	ssub.s32 $0x2, s3;
	s8 =	smul.u32 $0xC80, s6  }
0xa: {  	s3 =	sadd.s32 $0xF42E00, s4;
	s9 =	sshrl.u32 s7, $0x1;
	s10 =	smul.u32 $0x64000, s6  }
0xb: {  	s4 =	sadd.s32 $0xA00, s4;
	s6 =	smul.u32 $0x320000, s6;
	s7 =	ssub.s32 s7, s9  }
0xc: {  	s9 =	simm.s32 $0x5;
	s5 =	sadd.s32 s5, s8;
	s31 =	sadd.s32 s10, s4  }
0xd: {  	s7 =	smax.u32 s7, $0x1;
	s10 =	simm.s32 $0x80;
	s8 =	sadd.s32 $0x800, s31  }
.LBB2_1:
0xe: {  	[tilespmem:s2], [sflag:$0x5] =	stream.linear.gather [hbm4b:s5+s2], $0x6400, $0x38;
	[tilespmem:$0x16400] =	vst v63  }
0xf: {  	_ =	swait.ge [sflag:s9], $0x6400  }
0x10: {  	[sflag:s9] =	ssyncset.done $0x0  }
0x11: {  	[sflag:s9] =	ssyncadd.s32 $0xFFFF9C00  }
0x12: {  	[tilespmem:s11], [sflag:$0x1] =	stream.indirect.gather [hbm4b:s3+s10], $0x80, s2, s10, $0xb8;
	[tilespmem:$0x16400] =	vst v63  }
0x13: {  	s20 =	simm.s32 $0x0  }
0x14: {  	[tilespmem:s12], [sflag:$0x2] =	stream.indirect.gather [hbm4b:s3+s10], $0x80, s10, s10, $0xb8;
	[tilespmem:$0x16400] =	vst v63  }
.LBB2_2:
0x15: {  	_ =	swait.ge [sflag:s13], $0x4000  }
0x16: {  	p1 =	seq.s32 s20, $0x0;
	[sflag:s13] =	ssyncset.done $0x0  }
0x17: {  	s21 =	simm.s32 @!p1 $0x3;
	[sflag:s13] =	ssyncadd.s32 $0xFFFFC000  }
0x18: {  	_ =	swait.ge @!p1 [sflag:s21], $0x4000  }
0x19: {  	[sflag:s21] =	ssyncset.done @!p1 $0x0  }
0x1a: {  	[sflag:s21] =	ssyncadd.s32 @!p1 $0xFFFFC000;
	s21 =	simm.s32 $0x0  }
0x1b: {  	v0 =	vld [tilespmem:s21+$0x65B0]  }
0x1c: {  	v1 =	vld [tilespmem:s21+$0x6400]  }
0x1d: {  	v2 =	vld [tilespmem:s21+$0x6410]  }
0x1e: {  	v3 =	vld [tilespmem:s21+$0x6420]  }
0x1f: {  	v4 =	vld [tilespmem:s21+$0x6430]  }
0x20: {  	v5 =	vld [tilespmem:s21+$0x6480];
	v0 =	vmul.f32 $8.000000000e+00, v0  }
0x21: {  	v6 =	vld [tilespmem:s21+$0x6490];
	v1 =	vmul.f32 $8.000000000e+00, v1  }
0x22: {  	v7 =	vld [tilespmem:s21+$0x64A0];
	[tilespmem:s21+$0xE5B0] =	vst v0;
	v0 =	vmul.f32 $8.000000000e+00, v2  }
0x23: {  	v8 =	vld [tilespmem:s21+$0x64B0];
	[tilespmem:s21+$0xE400] =	vst v1;
	v1 =	vmul.f32 $8.000000000e+00, v3  }
0x24: {  	v9 =	vld [tilespmem:s21+$0x6500];
	v2 =	vmul.f32 $8.000000000e+00, v4;
	[tilespmem:s21+$0xE410] =	vst v0  }
0x25: {  	v10 =	vld [tilespmem:s21+$0x6510];
	v3 =	vmul.f32 $8.000000000e+00, v5;
	[tilespmem:s21+$0xE420] =	vst v1  }
0x26: {  	v4 =	vmul.f32 $8.000000000e+00, v6;
	v0 =	vld [tilespmem:s21+$0x6520];
	[tilespmem:s21+$0xE430] =	vst v2  }
0x27: {  	v5 =	vmul.f32 $8.000000000e+00, v7;
	v1 =	vld [tilespmem:s21+$0x6530];
	[tilespmem:s21+$0xE480] =	vst v3  }
0x28: {  	v7 =	vmul.f32 $8.000000000e+00, v8;
	v2 =	vld [tilespmem:s21+$0x6580];
	[tilespmem:s21+$0xE490] =	vst v4  }
0x29: {  	v3 =	vld [tilespmem:s21+$0x6590];
	[tilespmem:s21+$0xE4A0] =	vst v5;
	v5 =	vmul.f32 $8.000000000e+00, v9  }
0x2a: {  	s22 =	simm.s32 $0x200;
	s23 =	simm.s32 $0x1000;
	v6 =	vmul.f32 $8.000000000e+00, v10;
	v4 =	vld [tilespmem:s21+$0x65A0];
	[tilespmem:s21+$0xE4B0] =	vst v7  }
.LBB2_3:
0x2b: {  	p0 =	sne.s32 s23, $0xF800;
	v7 =	vld [tilespmem:s22+$0x65B0];
	v0 =	vmul.f32 $8.000000000e+00, v0;
	[tilespmem:s21+$0xE500] =	vst v5  }
0x2c: {  	v5 =	vld [tilespmem:s22+$0x6400];
	v1 =	vmul.f32 $8.000000000e+00, v1;
	[tilespmem:s21+$0xE510] =	vst v6  }
0x2d: {  	v6 =	vld [tilespmem:s22+$0x6410];
	v2 =	vmul.f32 $8.000000000e+00, v2;
	[tilespmem:s21+$0xE520] =	vst v0  }
0x2e: {  	v0 =	vld [tilespmem:s22+$0x6420];
	v3 =	vmul.f32 $8.000000000e+00, v3;
	[tilespmem:s21+$0xE530] =	vst v1  }
0x2f: {  	v1 =	vld [tilespmem:s22+$0x6430];
	v4 =	vmul.f32 $8.000000000e+00, v4;
	[tilespmem:s21+$0xE580] =	vst v2  }
0x30: {  	v2 =	vld [tilespmem:s22+$0x6480];
	v7 =	vmul.f32 $8.000000000e+00, v7;
	[tilespmem:s21+$0xE590] =	vst v3  }
0x31: {  	v3 =	vld [tilespmem:s22+$0x6490];
	v5 =	vmul.f32 $8.000000000e+00, v5;
	[tilespmem:s21+$0xE5A0] =	vst v4;
	s21 =	smov.u32 s22  }
0x32: {  	v4 =	vld [tilespmem:s21+$0x64A0];
	v6 =	vmul.f32 $8.000000000e+00, v6;
	[tilespmem:s21+$0xE5B0] =	vst v7  }
0x33: {  	v7 =	vld [tilespmem:s21+$0x64B0];
	v0 =	vmul.f32 $8.000000000e+00, v0;
	[tilespmem:s21+$0xE400] =	vst v5  }
0x34: {  	v5 =	vld [tilespmem:s21+$0x6500];
	v1 =	vmul.f32 $8.000000000e+00, v1;
	[tilespmem:s21+$0xE410] =	vst v6  }
0x35: {  	v6 =	vld [tilespmem:s21+$0x6510];
	v2 =	vmul.f32 $8.000000000e+00, v2;
	[tilespmem:s21+$0xE420] =	vst v0  }
.Ltmp0:
0x36: {  	v0 =	vld [tilespmem:s21+$0x6520];
	v3 =	vmul.f32 $8.000000000e+00, v3;
	[tilespmem:s21+$0xE430] =	vst v1;
	(pc) =	sbr.rel @p0 .LBB2_3-.Ltmp0, $4  }
0x37: {  	v1 =	vld [tilespmem:s21+$0x6530];
	v4 =	vmul.f32 $8.000000000e+00, v4;
	[tilespmem:s21+$0xE480] =	vst v2  }
0x38: {  	v2 =	vld [tilespmem:s21+$0x6580];
	v7 =	vmul.f32 $8.000000000e+00, v7;
	[tilespmem:s21+$0xE490] =	vst v3  }
0x39: {  	v3 =	vld [tilespmem:s21+$0x6590];
	v5 =	vmul.f32 $8.000000000e+00, v5;
	[tilespmem:s21+$0xE4A0] =	vst v4  }
0x3a: {  	s22 =	sshra.s32 s23, $0x2;
	s23 =	sadd.s32 $0x800, s23;
	v4 =	vld [tilespmem:s21+$0x65A0];
	v6 =	vmul.f32 $8.000000000e+00, v6;
	[tilespmem:s21+$0xE4B0] =	vst v7  }
0x3b: {  	v7 =	vld [tilespmem:s22+$0x65B0];
	[tilespmem:s21+$0xE500] =	vst v5;
	v0 =	vmul.f32 $8.000000000e+00, v0  }
0x3c: {  	v5 =	vld [tilespmem:s22+$0x6400];
	[tilespmem:s21+$0xE510] =	vst v6;
	v1 =	vmul.f32 $8.000000000e+00, v1  }
0x3d: {  	v6 =	vld [tilespmem:s22+$0x6410];
	[tilespmem:s21+$0xE520] =	vst v0;
	v2 =	vmul.f32 $8.000000000e+00, v2  }
0x3e: {  	v0 =	vld [tilespmem:s22+$0x6420];
	[tilespmem:s21+$0xE530] =	vst v1;
	v3 =	vmul.f32 $8.000000000e+00, v3  }
0x3f: {  	v1 =	vld [tilespmem:s22+$0x6430];
	[tilespmem:s21+$0xE580] =	vst v2;
	v4 =	vmul.f32 $8.000000000e+00, v4  }
0x40: {  	v2 =	vld [tilespmem:s22+$0x6480];
	[tilespmem:s21+$0xE590] =	vst v3;
	v7 =	vmul.f32 $8.000000000e+00, v7  }
0x41: {  	v3 =	vld [tilespmem:s22+$0x6490];
	[tilespmem:s21+$0xE5A0] =	vst v4;
	v5 =	vmul.f32 $8.000000000e+00, v5  }
0x42: {  	v4 =	vld [tilespmem:s22+$0x64A0];
	[tilespmem:s22+$0xE5B0] =	vst v7;
	v6 =	vmul.f32 $8.000000000e+00, v6  }
0x43: {  	v7 =	vld [tilespmem:s22+$0x64B0];
	[tilespmem:s22+$0xE400] =	vst v5;
	v0 =	vmul.f32 $8.000000000e+00, v0  }
0x44: {  	v5 =	vld [tilespmem:s22+$0x6500];
	[tilespmem:s22+$0xE410] =	vst v6;
	v1 =	vmul.f32 $8.000000000e+00, v1  }
0x45: {  	v6 =	vld [tilespmem:s22+$0x6510];
	[tilespmem:s22+$0xE420] =	vst v0;
	v2 =	vmul.f32 $8.000000000e+00, v2  }
0x46: {  	v0 =	vld [tilespmem:s22+$0x6520];
	[tilespmem:s22+$0xE430] =	vst v1;
	v3 =	vmul.f32 $8.000000000e+00, v3  }
0x47: {  	v1 =	vld [tilespmem:s22+$0x6530];
	[tilespmem:s22+$0xE480] =	vst v2;
	v4 =	vmul.f32 $8.000000000e+00, v4  }
0x48: {  	v2 =	vld [tilespmem:s22+$0x6580];
	v7 =	vmul.f32 $8.000000000e+00, v7;
	[tilespmem:s22+$0xE490] =	vst v3  }
0x49: {  	v3 =	vld [tilespmem:s22+$0x6590];
	[tilespmem:s22+$0xE4A0] =	vst v4;
	v4 =	vmul.f32 $8.000000000e+00, v5  }
0x4a: {  	v5 =	vld [tilespmem:s22+$0x65A0];
	v6 =	vmul.f32 $8.000000000e+00, v6;
	[tilespmem:s22+$0xE4B0] =	vst v7  }
0x4b: {  	v0 =	vmul.f32 $8.000000000e+00, v0;
	[tilespmem:s22+$0xE500] =	vst v4  }
0x4c: {  	v1 =	vmul.f32 $8.000000000e+00, v1;
	[tilespmem:s22+$0xE510] =	vst v6  }
0x4d: {  	v2 =	vmul.f32 $8.000000000e+00, v2;
	[tilespmem:s22+$0xE520] =	vst v0  }
0x4e: {  	p0 =	seq.s32 s20, $0x63;
	v0 =	vmul.f32 $8.000000000e+00, v3;
	[tilespmem:s22+$0xE530] =	vst v1  }
0x4f: {  	s21 =	sshll.u32 @!p0 s20, $0x8;
	v1 =	vmul.f32 $8.000000000e+00, v5;
	[tilespmem:s22+$0xE580] =	vst v2  }
0x50: {  	s31 =	sshll.u32 s20, $0xF;
	s21 =	sand.u32 @!p0 $0x3FFFFF00, s21;
	[tilespmem:s22+$0xE590] =	vst v0  }
0x51: {  	s23 =	simm.s32 @!p0 $0x80;
	s24 =	simm.s32 @!p0 $0x6400;
	[tilespmem:s22+$0xE5A0] =	vst v1;
	s22 =	sadd.s32 @!p0 $0x100, s21  }
0x52: {  	[tilespmem:s24], [sflag:$0x1] =	stream.indirect.gather @!p0 [hbm4b:s3+s23], $0x80, s22, s23, $0xb8;
	[tilespmem:$0x16400] =	vst v63  }
0x53: {  	s22 =	sadd.s32 s6, s31  }
0x54: {  	s22 =	sshrl.u32 s22, $0x3  }
0x55: {  	s22 =	sadd.s32 s4, s22  }
0x56: {  	[hbm4b:s22+s2] =	stream.linear.scatter [tilespmem:s14], [sflag:$0x3], $0x4000, $0x38;
	[tilespmem:$0x16400] =	vst v63  }
0x57: {  	_ =	swait.ge [sflag:s15], $0x4000  }
0x58: {  	[sflag:s15] =	ssyncset.done $0x0  }
0x59: {  	s22 =	simm.s32 @!p1 $0x4;
	[sflag:s15] =	ssyncadd.s32 $0xFFFFC000  }
0x5a: {  	_ =	swait.ge @!p1 [sflag:s22], $0x4000  }
0x5b: {  	[sflag:s22] =	ssyncset.done @!p1 $0x0  }
0x5c: {  	[sflag:s22] =	ssyncadd.s32 @!p1 $0xFFFFC000;
	s22 =	simm.s32 $0x0  }
0x5d: {  	v0 =	vld [tilespmem:s22+$0xA5B0]  }
0x5e: {  	v1 =	vld [tilespmem:s22+$0xA400]  }
0x5f: {  	v2 =	vld [tilespmem:s22+$0xA410]  }
0x60: {  	v3 =	vld [tilespmem:s22+$0xA420]  }
0x61: {  	v4 =	vld [tilespmem:s22+$0xA430]  }
0x62: {  	v5 =	vld [tilespmem:s22+$0xA480];
	v0 =	vmul.f32 $8.000000000e+00, v0  }
0x63: {  	v6 =	vld [tilespmem:s22+$0xA490];
	v1 =	vmul.f32 $8.000000000e+00, v1  }
0x64: {  	v7 =	vld [tilespmem:s22+$0xA4A0];
	[tilespmem:s22+$0x125B0] =	vst v0;
	v0 =	vmul.f32 $8.000000000e+00, v2  }
0x65: {  	v8 =	vld [tilespmem:s22+$0xA4B0];
	[tilespmem:s22+$0x12400] =	vst v1;
	v1 =	vmul.f32 $8.000000000e+00, v3  }
0x66: {  	v9 =	vld [tilespmem:s22+$0xA500];
	v2 =	vmul.f32 $8.000000000e+00, v4;
	[tilespmem:s22+$0x12410] =	vst v0  }
0x67: {  	v10 =	vld [tilespmem:s22+$0xA510];
	v3 =	vmul.f32 $8.000000000e+00, v5;
	[tilespmem:s22+$0x12420] =	vst v1  }
0x68: {  	v4 =	vmul.f32 $8.000000000e+00, v6;
	v0 =	vld [tilespmem:s22+$0xA520];
	[tilespmem:s22+$0x12430] =	vst v2  }
0x69: {  	v5 =	vmul.f32 $8.000000000e+00, v7;
	v1 =	vld [tilespmem:s22+$0xA530];
	[tilespmem:s22+$0x12480] =	vst v3  }
0x6a: {  	v7 =	vmul.f32 $8.000000000e+00, v8;
	v2 =	vld [tilespmem:s22+$0xA580];
	[tilespmem:s22+$0x12490] =	vst v4  }
0x6b: {  	v3 =	vld [tilespmem:s22+$0xA590];
	[tilespmem:s22+$0x124A0] =	vst v5;
	v5 =	vmul.f32 $8.000000000e+00, v9  }
0x6c: {  	s23 =	simm.s32 $0x200;
	s24 =	simm.s32 $0x1000;
	v6 =	vmul.f32 $8.000000000e+00, v10;
	v4 =	vld [tilespmem:s22+$0xA5A0];
	[tilespmem:s22+$0x124B0] =	vst v7  }
.LBB2_5:
0x6d: {  	p1 =	sne.s32 s24, $0xF800;
	v7 =	vld [tilespmem:s23+$0xA5B0];
	v0 =	vmul.f32 $8.000000000e+00, v0;
	[tilespmem:s22+$0x12500] =	vst v5  }
0x6e: {  	v5 =	vld [tilespmem:s23+$0xA400];
	v1 =	vmul.f32 $8.000000000e+00, v1;
	[tilespmem:s22+$0x12510] =	vst v6  }
0x6f: {  	v6 =	vld [tilespmem:s23+$0xA410];
	v2 =	vmul.f32 $8.000000000e+00, v2;
	[tilespmem:s22+$0x12520] =	vst v0  }
0x70: {  	v0 =	vld [tilespmem:s23+$0xA420];
	v3 =	vmul.f32 $8.000000000e+00, v3;
	[tilespmem:s22+$0x12530] =	vst v1  }
0x71: {  	v1 =	vld [tilespmem:s23+$0xA430];
	v4 =	vmul.f32 $8.000000000e+00, v4;
	[tilespmem:s22+$0x12580] =	vst v2  }
0x72: {  	v2 =	vld [tilespmem:s23+$0xA480];
	v7 =	vmul.f32 $8.000000000e+00, v7;
	[tilespmem:s22+$0x12590] =	vst v3  }
0x73: {  	v3 =	vld [tilespmem:s23+$0xA490];
	v5 =	vmul.f32 $8.000000000e+00, v5;
	[tilespmem:s22+$0x125A0] =	vst v4;
	s22 =	smov.u32 s23  }
0x74: {  	v4 =	vld [tilespmem:s22+$0xA4A0];
	v6 =	vmul.f32 $8.000000000e+00, v6;
	[tilespmem:s22+$0x125B0] =	vst v7  }
0x75: {  	v7 =	vld [tilespmem:s22+$0xA4B0];
	v0 =	vmul.f32 $8.000000000e+00, v0;
	[tilespmem:s22+$0x12400] =	vst v5  }
0x76: {  	v5 =	vld [tilespmem:s22+$0xA500];
	v1 =	vmul.f32 $8.000000000e+00, v1;
	[tilespmem:s22+$0x12410] =	vst v6  }
0x77: {  	v6 =	vld [tilespmem:s22+$0xA510];
	v2 =	vmul.f32 $8.000000000e+00, v2;
	[tilespmem:s22+$0x12420] =	vst v0  }
.Ltmp1:
0x78: {  	v0 =	vld [tilespmem:s22+$0xA520];
	v3 =	vmul.f32 $8.000000000e+00, v3;
	[tilespmem:s22+$0x12430] =	vst v1;
	(pc) =	sbr.rel @p1 .LBB2_5-.Ltmp1, $4  }
0x79: {  	v1 =	vld [tilespmem:s22+$0xA530];
	v4 =	vmul.f32 $8.000000000e+00, v4;
	[tilespmem:s22+$0x12480] =	vst v2  }
0x7a: {  	v2 =	vld [tilespmem:s22+$0xA580];
	v7 =	vmul.f32 $8.000000000e+00, v7;
	[tilespmem:s22+$0x12490] =	vst v3  }
0x7b: {  	v3 =	vld [tilespmem:s22+$0xA590];
	v5 =	vmul.f32 $8.000000000e+00, v5;
	[tilespmem:s22+$0x124A0] =	vst v4  }
0x7c: {  	s23 =	sshra.s32 s24, $0x2;
	s24 =	sadd.s32 $0x800, s24;
	v4 =	vld [tilespmem:s22+$0xA5A0];
	v6 =	vmul.f32 $8.000000000e+00, v6;
	[tilespmem:s22+$0x124B0] =	vst v7  }
0x7d: {  	v7 =	vld [tilespmem:s23+$0xA5B0];
	[tilespmem:s22+$0x12500] =	vst v5;
	v0 =	vmul.f32 $8.000000000e+00, v0  }
0x7e: {  	v5 =	vld [tilespmem:s23+$0xA400];
	[tilespmem:s22+$0x12510] =	vst v6;
	v1 =	vmul.f32 $8.000000000e+00, v1  }
0x7f: {  	v6 =	vld [tilespmem:s23+$0xA410];
	[tilespmem:s22+$0x12520] =	vst v0;
	v2 =	vmul.f32 $8.000000000e+00, v2  }
0x80: {  	v0 =	vld [tilespmem:s23+$0xA420];
	[tilespmem:s22+$0x12530] =	vst v1;
	v3 =	vmul.f32 $8.000000000e+00, v3  }
0x81: {  	v1 =	vld [tilespmem:s23+$0xA430];
	[tilespmem:s22+$0x12580] =	vst v2;
	v4 =	vmul.f32 $8.000000000e+00, v4  }
0x82: {  	v2 =	vld [tilespmem:s23+$0xA480];
	[tilespmem:s22+$0x12590] =	vst v3;
	v7 =	vmul.f32 $8.000000000e+00, v7  }
0x83: {  	v3 =	vld [tilespmem:s23+$0xA490];
	[tilespmem:s22+$0x125A0] =	vst v4;
	v5 =	vmul.f32 $8.000000000e+00, v5  }
0x84: {  	v4 =	vld [tilespmem:s23+$0xA4A0];
	[tilespmem:s23+$0x125B0] =	vst v7;
	v6 =	vmul.f32 $8.000000000e+00, v6  }
0x85: {  	v53 =	vld [tilespmem:s23+$0xA4B0];
	[tilespmem:s23+$0x12400] =	vst v5;
	v0 =	vmul.f32 $8.000000000e+00, v0  }
0x86: {  	v54 =	vld [tilespmem:s23+$0xA500];
	[tilespmem:s23+$0x12410] =	vst v6;
	v1 =	vmul.f32 $8.000000000e+00, v1  }
0x87: {  	v55 =	vld [tilespmem:s23+$0xA510];
	[tilespmem:s23+$0x12420] =	vst v0;
	v2 =	vmul.f32 $8.000000000e+00, v2  }
0x88: {  	v56 =	vld [tilespmem:s23+$0xA520];
	[tilespmem:s23+$0x12430] =	vst v1;
	v3 =	vmul.f32 $8.000000000e+00, v3  }
0x89: {  	v57 =	vld [tilespmem:s23+$0xA530];
	[tilespmem:s23+$0x12480] =	vst v2;
	v4 =	vmul.f32 $8.000000000e+00, v4  }
0x8a: {  	v58 =	vld [tilespmem:s23+$0xA580];
	v7 =	vmul.f32 $8.000000000e+00, v53;
	[tilespmem:s23+$0x12490] =	vst v3  }
0x8b: {  	v59 =	vld [tilespmem:s23+$0xA590];
	v60 =	vmul.f32 $8.000000000e+00, v54;
	[tilespmem:s23+$0x124A0] =	vst v4  }
0x8c: {  	v61 =	vld [tilespmem:s23+$0xA5A0];
	v6 =	vmul.f32 $8.000000000e+00, v55;
	[tilespmem:s23+$0x124B0] =	vst v7  }
0x8d: {  	v0 =	vmul.f32 $8.000000000e+00, v56;
	[tilespmem:s23+$0x12500] =	vst v60  }
0x8e: {  	v1 =	vmul.f32 $8.000000000e+00, v57;
	[tilespmem:s23+$0x12510] =	vst v6  }
0x8f: {  	v2 =	vmul.f32 $8.000000000e+00, v58;
	[tilespmem:s23+$0x12520] =	vst v0  }
0x90: {  	v62 =	vmul.f32 $8.000000000e+00, v59;
	[tilespmem:s23+$0x12530] =	vst v1  }
0x91: {  	v63 =	vmul.f32 $8.000000000e+00, v61;
	[tilespmem:s23+$0x12580] =	vst v2  }
0x92: {  	s21 =	sadd.s32 @!p0 $0x180, s21;
	s31 =	sshll.u32 s20, $0xC;
	[tilespmem:s23+$0x12590] =	vst v62  }
0x93: {  	s20 =	sadd.s32 $0x1, s20;
	s22 =	simm.s32 @!p0 $0x80;
	[tilespmem:s23+$0x125A0] =	vst v63;
	s23 =	simm.s32 @!p0 $0xA400  }
0x94: {  	[tilespmem:s23], [sflag:$0x2] =	stream.indirect.gather @!p0 [hbm4b:s3+s22], $0x80, s21, s22, $0xb8;
	[tilespmem:$0x16400] =	vst v63  }
0x95: {  	p0 =	sne.s32 s20, $0x64  }
.Ltmp2:
0x96: {  	_ = 	snop;
	(pc) =	sbr.rel @p0 .LBB2_2-.Ltmp2, $3  }
0x97: {  	_ =	sdelay $0x1  }
0x98: {  	s21 =	sadd.s32 s8, s31  }
0x99: {  	[hbm4b:s21+s2] =	stream.linear.scatter [tilespmem:s16], [sflag:$0x4], $0x4000, $0x38;
	[tilespmem:$0x16400] =	vst v63  }
0x9a: {  	s19 =	sadd.s32 $0x1, s19  }
0x9b: {  	_ =	swait.ge [sflag:s17], $0x4000;
	p0 =	sne.s32 s19, s7  }
.Ltmp3:
0x9c: {  	[sflag:s17] =	ssyncset.done $0x0;
	(pc) =	sbr.rel @p0 .LBB2_1-.Ltmp3, $4  }
0x9d: {  	[sflag:s17] =	ssyncadd.s32 $0xFFFFC000  }
0x9e: {  	_ =	swait.ge [sflag:s18], $0x4000  }
0x9f: {  	[sflag:s18] =	ssyncset.done $0x0  }
0xa0: {  	[sflag:s18] =	ssyncadd.s32 $0xFFFFC000  }
0xa1: {  	_ =	sfence.sel $0x180000  }
0xa2: {  	[bflag:$0x0] =	sbarrier.arrive $0xFFFF  }
0xa3: {  	p0 =	sne.s32 s1, $0x0;
	_ =	strace $0x90000047  }
0xa4: {  	s0 =	sadd.s32 @!p0 $0x100000, s0;
	[bflag:$0x2] =	sbarrier.arrive $0xFFFF  }
0xa5: {  	[sflag:s0] =	ssyncadd.tile.s32 @!p0 $0x1;
	_ =	shalt  }
.Lfunc_end2:
_tile_overlayer_lowered:
.L_overlay_start_2:
0xa6: {  	(tag) =	ssettag $0x2  }
0xa7: {  	s0 =	rddreg [dreg:$0x0];
	s2 =	stileid.u32  }
0xa8: {  	s1 =	rddreg [dreg:$0x1];
	p0 =	sne.s32 s2, $0x0  }
0xa9: {  	s3 =	rddreg [dreg:$0x2];
	[bflag:$0x3] =	sbarrier.arrive $0xFFFF;
	s2 =	simm.s32 @!p0 $0x1C05  }
0xaa: {  	[timem:s3], [sflag:s2] =	dma.local @!p0 [hbm:s0], s1  }
0xab: {  	s0 =	simm.s32 @!p0 $0x5  }
0xac: {  	_ =	swait.ge @!p0 [sflag:s0], s1  }
0xad: {  	s1 =	ssub.s32 @!p0 $0x0, s1;
	[sflag:s0] =	ssyncset.done @!p0 $0x0  }
0xae: {  	[sflag:s0] =	ssyncadd.s32 @!p0 s1  }
0xaf: {  	[bflag:$0x3] =	sbarrier.arrive $0xFFFF  }
0xb0: {  	_ =	shalt  }

// kernel: sparse-core-data-format-call.cloned.1.call-start
scs
called_computation_lowered:
.L_overlay_start_0:
0x0: {  	s2 =	sld [smem:$0x3FD9]  }
0x1: {  	s3 =	sld [smem:$0x3FFE];
	_ =	sdelay $0x1  }
0x2: {  	s1 =	srdreg.scid  }
0x3: {  	s0 =	sand.u32 $0x1, s1  }
0x4: {  	s18 =	sshll.u32 s0, $0xA;
	s2 =	sadd.s32 s3, s2  }
0x5: {  	s2 =	sadd.s32 s2, s18  }
0x6: {  	[smem:$0x3FC6] =	sst s2  }
0x7: {  	_ = 	snop  }
0x8: {  	s2 =	sld [smem:$0x3FD0];
	(tm) =	ssettm $0x1  }
0x9: {  	s19 =	sld [smem:$0x3FFB];
	_ =	sdelay $0x3  }
0xa: {  	_ =	strace s19  }
0xb: {  	s3 =	sld [smem:$0x3FFC];
	_ =	sdelay $0x3  }
0xc: {  	_ =	strace s3  }
0xd: {  	s3 =	sld [smem:$0x3FFD];
	_ =	sdelay $0x3  }
0xe: {  	_ =	strace s3  }
0xf: {  	_ =	strace $0x8FFFFFFF  }
0x10: {  	s20 =	sld [smem:$0x3FDB];
	_ =	sdelay $0x1  }
0x11: {  	s4 =	simm.s32 $_scs_section_size  }
0x12: {  	s5 =	simm.s32 $_size__tile_overlayer_lowered;
	s6 =	simm.s32 $_tile_overlayer_lowered  }
0x13: {  	s23 =	simm.s32 $0x1BFF;
	s22 =	sshll.u32 s6, $0x1;
	s3 =	sadd.s32 s4, s20  }
0x14: {  	s7 =	simm.s32 $0x0;
	s21 =	sshll.u32 s5, $0x1;
	s5 =	sadd.s32 s22, s3  }
0x15: {  	[timem:s7], [sflag:s23] =	dma.local [hbm:s5], s21  }
0x16: {  	_ =	swait.ge [sflag:s23], s21  }
0x17: {  	s4 =	ssub.s32 $0x0, s21;
	[sflag:s23] =	ssyncset.done $0x0  }
0x18: {  	[sflag:s23] =	ssyncadd.s32 s4;
	_ =	sdelay $0x1  }
0x19: {  	s24 =	simm.s32 $0x1B8B  }
0x1a: {  	_ =	swait.ge [sflag:s24], $0x1  }
0x1b: {  	[sflag:s24] =	ssyncset.done $0x0  }
0x1c: {  	s26 =	simm.s32 $0x1B8E;
	s25 =	sld [smem:$0x3FFE];
	[sflag:s24] =	ssyncadd.s32 $0xFFFFFFFF  }
0x1d: {  	s27 =	simm.s32 $execute0_lowered;
	[smem:$0x3FD2] =	sst s26  }
0x1e: {  	s5 =	sshll.u32 s27, $0x1;
	_ =	strace $0x80000049;
	[dreg:$0x1] =	wrdreg $0xFFFFFFFF  }
0x1f: {  	s28 =	simm.s32 $_size_execute0_lowered;
	s3 =	sadd.s32 s3, s5;
	[dreg:$0x0] =	wrdreg $0x0  }
0x20: {  	s5 =	sshll.u32 s28, $0x1;
	[dreg:$0x2] =	wrdreg s3  }
0x21: {  	[dreg:$0x3] =	wrdreg s5  }
0x22: {  	[dreg:$0x4] =	wrdreg $0xC0  }
0x23: {  	_ =	task [dreg:s7], $0x5FFFF  }
0x24: {  	[dreg:$0x1] =	wrdreg $0xFFFFFFFF  }
0x25: {  	[dreg:$0x0] =	wrdreg $0x60  }
0x26: {  	[dreg:$0x2] =	wrdreg s25  }
0x27: {  	[dreg:$0x3] =	wrdreg s2  }
0x28: {  	[dreg:$0x4] =	wrdreg $0x9  }
0x29: {  	_ =	task.clear_ibuf [dreg:s7], $0x5FFFF;
	_ =	strace $0x90000049  }
0x2a: {  	s29 =	simm.s32 $0x9;
	_ =	strace $0x8000004B  }
0x2b: {  	_ =	swait.ge [sflag:s29], $0x1  }
0x2c: {  	[sflag:s29] =	ssyncadd.s32 $0xFFFFFFFF  }
0x2d: {  	_ =	strace $0x9000004B  }
0x2e: {  	_ =	sfence  }
0x2f: {  	s30 =	sld [smem:$0x0];
	_ =	sdelay $0x2  }
0x30: {  	s31 =	sshll.u32 s1, $0xD;
	s1 =	sshrl.u32 s1, $0x2  }
0x31: {  	s3 =	sand.u32 $0x4000, s31;
	s1 =	sadd.s32 s1, s30  }
0x32: {  	s0 =	sor.u32 s3, s0;
	s1 =	sshll.u32 s1, $0x11  }
0x33: {  	s0 =	sor.u32 s1, s0  }
0x34: {  	s0 =	sadd.s32 $0x8F2B, s0  }
0x35: {  	[sflag:s0] =	ssyncadd.remote.s32 $0x1  }
0x36: {  	_ =	sfence.sel $0xFFFF  }
0x37: {  	[dreg:$0x0] =	wrdreg $0xFFFFFFFF;
	(pc) =	sbr.abs _section_cstart, $3  }
0x38: {  	[dreg:$0x1] =	wrdreg $0xFFFFFFFF  }
0x39: {  	_ =	task.clear_ibuf [dreg:s7], $0x2FFFF;
	_ =	strace $0x9FFFFFFF  }
0x3a: {  	(tm) =	ssettm $0x7FFFFFFF  }
0x3b: {  	_ =	shalt  }
tec
execute0_lowered:
.L_overlay_start_1:
0x0: {  	(tag) =	ssettag $0x1  }
0x1: {  	s0 =	srdreg.scid  }
0x2: {  	s1 =	sshll.u32 s0, $0x4  }
0x3: {  	s0 =	stileid.u32;
	s1 =	sand.u32 $0x10, s1  }
0x4: {  	s1 =	sor.u32 s0, s1  }
0x5: {  	s6 =	rddreg [dreg:$0x0];
	s4 =	simm.s32 $0x1;
	s2 =	sshll.u32 s1, $0x7  }
0x6: {  	s7 =	simm.s32 $0x2;
	s12 =	simm.s32 $0x0;
	s1 =	ssub.s32 $0x1000, s2  }
0x7: {  	s8 =	simm.s32 $0x8000;
	s13 =	simm.s32 $0x0;
	s3 =	sand.u32 $0xF80, s1  }
0x8: {  	s9 =	simm.s32 $0x0;
	s5 =	sshrl.u32 s1, $0xC;
	p0 =	sne.s32 s3, $0x0  }
.Ltmp0:
0x9: {  	s1 =	rddreg [dreg:$0x2];
	s4 =	simm.s32 @!p0 $0x0;
	(pc) =	sbr.rel .LBB1_1-.Ltmp0, $4  }
0xa: {  	s11 =	simm.s32 $0x0;
	s3 =	rddreg [dreg:$0x1];
	s5 =	sadd.s32 s4, s5  }
0xb: {  	_ =	strace $0x8000004A;
	s4 =	simm.s32 $0x1;
	s5 =	smul.u32 $0xC8, s5  }
0xc: {  	s6 =	sadd.s32 $0xA00, s6;
	s10 =	smov.u32 s2;
	[sflag:s4] =	ssyncpa.u1 $0x0  }
0xd: {  	p0 =	por $0x0, $0x0;
	[sflag:s7] =	ssyncpa.u1 $0x0;
	s7 =	sor.u32 $0x1, s5  }
.LBB1_4:
0xe: {  	s16 =	sshll.u32 s13, $0x3;
	s17 =	sand.u32 $0x78, s13  }
0xf: {  	s30 =	sand.u32 $0x7E00, s13;
	s12 =	sshll.u32 s12, $0xF;
	s16 =	sand.u32 $0xC00, s16  }
0x10: {  	[tilespmem:s15+$0x810 ss:$0x81] =	vst.msk $0xffff, v2;
	s31 =	sand.u32 $0x7, s13;
	s16 =	sor.u32 s17, s16;
	s17 =	sadd.s32 s3, s30  }
0x11: {  	[tilespmem:s15+$0x1020 ss:$0x81] =	vst.msk $0xffff, v0;
	s13 =	sshll.u32 s31, $0x12;
	s12 =	sadd.s32 s12, s17;
	s16 =	sshrl.u32 s16, $0x3  }
0x12: {  	[tilespmem:s15+$0x0 ss:$0x81] =	vst.msk $0xffff, v1;
	s13 =	sor.u32 $0x400, s13;
	s12 =	sadd.s32 s16, s12  }
0x13: {  	[hbm4b:s12+s13] =	stream.strided.scatter [tilespmem:s14], [sflag:$0x2], $0x2000, s8, s13, $0x20;
	[tilespmem:$0x8080] =	vst v63  }
.LBB1_5:
0x14: {  	s14 =	sadd.s32 $0x1, s9  }
0x15: {  	s12 =	sadd.s32 $0x1000, s10;
	s16 =	smov.u32 s10;
	p2 =	sgt.s32 s14, $0xC7  }
0x16: {  	s16 =	smov.u32 @p2 s12  }
0x17: {  	s14 =	simm.s32 @p2 $0x0;
	p2 =	sgt.s32 s16, $0xFFF  }
0x18: {  	s16 =	smov.u32 @p2 s2;
	p2 =	sne.s32 s11, s7  }
.Ltmp1:
0x19: {  	p1 =	slt.u32 s11, $0x2;
	(pc) =	sbr.rel @!p2 .LBB1_6-.Ltmp1, $4  }
0x1a: {  	s15 =	simm.s32 @!p1 $0x2  }
0x1b: {  	s13 =	smov.u32 s10;
	p0 =	por !p0, !p0;
	_ =	swait.ge @!p1 [sflag:s15], $0x2000  }
0x1c: {  	s12 =	smov.u32 s9;
	[sflag:s15] =	ssyncset.done @!p1 $0x0;
	s9 =	smov.u32 s14  }
0x1d: {  	s11 =	sadd.s32 $0x1, s11;
	[sflag:s15] =	ssyncadd.s32 @!p1 $0xFFFFE000;
	s10 =	smov.u32 s16  }
.LBB1_1:
0x1e: {  	p1 =	sge.u32 s11, s5  }
0x1f: {  	s14 =	sand.u32 @!p1 $0x1FFFFFF, s9  }
0x20: {  	s15 =	smulhi.u32 @!p1 $0x147AE15, s14;
	_ =	sdelay $0x1  }
0x21: {  	s15 =	smul.u32 @!p1 $0xC8, s15  }
0x22: {  	s16 =	sxor.u32 @!p1 $0xFFFFFFFF, s11;
	s17 =	smul.u32 @!p1 $0xC80, s10  }
0x23: {  	s31 =	sadd.s32 $0xFFFFFFFF, s11;
	s16 =	sshll.u32 @!p1 s16, $0xD;
	s14 =	ssub.s32 @!p1 s14, s15  }
0x24: {  	s15 =	sand.u32 @!p1 $0x2000, s16;
	s16 =	sadd.s32 @!p1 s6, s17;
	s14 =	sshll.u32 @!p1 s14, $0x4  }
0x25: {  	s17 =	simm.s32 @!p1 $0x6400;
	s14 =	sadd.s32 @!p1 s14, s16;
	s16 =	simm.s32 @!p1 $0x40  }
0x26: {  	[tilespmem:s15], [sflag:$0x1] =	stream.strided.gather @!p1 [hbm4b:s14+s16], $0x2000, s17, s16, $0x38;
	[tilespmem:$0x8080] =	vst v63  }
0x27: {  	p1 =	sge.u32 s31, s5  }
.Ltmp2:
0x28: {  	_ = 	snop;
	(pc) =	sbr.rel @p1 .LBB1_5-.Ltmp2, $1  }
0x29: {  	_ =	sdelay $0x3  }
0x2a: {  	s14 =	simm.s32 $0x1  }
0x2b: {  	_ =	swait.ge [sflag:s4], $0x2000;
	s14 =	simm.s32 @!p0 $0x0  }
0x2c: {  	[sflag:s4] =	ssyncset.done $0x0;
	s15 =	sshll.u32 s14, $0xD  }
0x2d: {  	[sflag:s4] =	ssyncadd.s32 $0xFFFFE000;
	s18 =	sor.u32 $0x20, s15  }
0x2e: {  	s14 =	smul.u32 $0x8100, s14;
	v3 =	vld [tilespmem:s18+$0x10]  }
0x2f: {  	s30 =	sand.u32 $0x1, s11;
	v2 =	vld [tilespmem:s18+$0xFFFFFFF0]  }
0x30: {  	s15 =	smul.u32 $0x8100, s30;
	s14 =	sshrl.u32 s14, $0x2;
	v0 =	vld [tilespmem:s18+$0x0]  }
0x31: {  	v1 =	vld [tilespmem:s18+$0xFFFFFFE0];
	s16 =	sor.u32 $0x4000, s14  }
0x32: {  	s31 =	sshrl.u32 s15, $0x2;
	s15 =	sadd.s32 $0x0, s16  }
0x33: {  	s17 =	simm.s32 $0x4;
	s18 =	sadd.s32 $0x40, s18;
	s14 =	sor.u32 $0x4000, s31;
	[tilespmem:s15+$0x1830 ss:$0x81] =	vst.msk $0xffff, v3  }
.LBB1_3:
0x34: {  	v3 =	vld [tilespmem:s18+$0x10];
	p1 =	sne.s32 s17, $0x1FC;
	[tilespmem:s15+$0x810 ss:$0x81] =	vst.msk $0xffff, v2;
	s19 =	smov.u32 s17;
	s17 =	sadd.s32 $0x4, s17  }
.Ltmp3:
0x35: {  	v2 =	vld [tilespmem:s18+$0xFFFFFFF0];
	[tilespmem:s15+$0x1020 ss:$0x81] =	vst.msk $0xffff, v0;
	(pc) =	sbr.rel @p1 .LBB1_3-.Ltmp3, $4  }
0x36: {  	v0 =	vld [tilespmem:s18+$0x0];
	[tilespmem:s15+$0x0 ss:$0x81] =	vst.msk $0xffff, v1  }
0x37: {  	s15 =	sshra.s32 s19, $0x2;
	v1 =	vld [tilespmem:s18+$0xFFFFFFE0]  }
0x38: {  	s15 =	sadd.s32 s15, s16  }
0x39: {  	s18 =	sadd.s32 $0x40, s18;
	[tilespmem:s15+$0x1830 ss:$0x81] =	vst.msk $0xffff, v3  }
.Ltmp4:
0x3a: {  	_ = 	snop;
	(pc) =	sbr.rel .LBB1_4-.Ltmp4, $1  }
0x3b: {  	_ =	sdelay $0x3  }
.LBB1_6:
0x3c: {  	_ =	sfence.sel $0x180000  }
0x3d: {  	s2 =	simm.s32 $0x1;
	[bflag:$0x0] =	sbarrier.arrive $0xFFFF  }
0x3e: {  	s31 =	simm.s32 $0x2;
	[sflag:s2] =	ssyncpa.u1 $0x1  }
0x3f: {  	[sflag:s31] =	ssyncpa.u1 $0x1  }
0x40: {  	p0 =	sne.s32 s0, $0x0;
	_ =	strace $0x9000004A  }
0x41: {  	s0 =	sadd.s32 @!p0 $0x100000, s1;
	[bflag:$0x2] =	sbarrier.arrive $0xFFFF  }
0x42: {  	[sflag:s0] =	ssyncadd.tile.s32 @!p0 $0x1;
	_ =	shalt  }
.Lfunc_end1:
_tile_overlayer_lowered:
.L_overlay_start_2:
0x43: {  	(tag) =	ssettag $0x2  }
0x44: {  	s0 =	rddreg [dreg:$0x0];
	s2 =	stileid.u32  }
0x45: {  	s1 =	rddreg [dreg:$0x1];
	p0 =	sne.s32 s2, $0x0  }
0x46: {  	s3 =	rddreg [dreg:$0x2];
	[bflag:$0x3] =	sbarrier.arrive $0xFFFF;
	s2 =	simm.s32 @!p0 $0x1C01  }
0x47: {  	[timem:s3], [sflag:s2] =	dma.local @!p0 [hbm:s0], s1  }
0x48: {  	s0 =	simm.s32 @!p0 $0x1  }
0x49: {  	_ =	swait.ge @!p0 [sflag:s0], s1  }
0x4a: {  	s1 =	ssub.s32 @!p0 $0x0, s1;
	[sflag:s0] =	ssyncset.done @!p0 $0x0  }
0x4b: {  	[sflag:s0] =	ssyncadd.s32 @!p0 s1  }
0x4c: {  	[bflag:$0x3] =	sbarrier.arrive $0xFFFF  }
0x4d: {  	_ =	shalt  }

</sc_bundles>
